<compile_context>
chip_gen: v7x
topology: tpu7x:2x2x1
jax: 0.10.2.dev20260603
libtpu: 0.0.44.dev20260713+nightly
codegen_flags: <defaults>
</compile_context>

<pallas_src>
import functools

import jax
import jax.numpy as jnp
from jax import lax
from jax.experimental import pallas as pl
from jax.experimental.pallas import tpu as pltpu
from jax.experimental.pallas import tpu_sc as plsc

NC = 2
NS = 16
LANES = 8

CHUNK = 64
NB = 2


def _sc_aggregate(x, src, wexp, dst, n_nodes, d, ept):
  nchunks = ept // CHUNK
  npairs = nchunks // NB
  rows_per_tile = -(-(-(-n_nodes // NS)) // 8) * 8
  n_pad = NS * rows_per_tile
  nzfull = rows_per_tile // CHUNK
  zrem = rows_per_tile - nzfull * CHUNK

  mesh = plsc.VectorSubcoreMesh(core_axis_name="c", subcore_axis_name="s")

  @functools.partial(
      pl.kernel,
      out_type=jax.ShapeDtypeStruct((NC, n_pad, d), jnp.float32),
      mesh=mesh,
      scratch_types=[
          pltpu.VMEM_SHARED((n_pad, d), jnp.float32),
          [pltpu.VMEM((CHUNK,), jnp.int32) for _ in range(NB)],
          [pltpu.VMEM((CHUNK, 16), jnp.float32) for _ in range(NB)],
          [pltpu.VMEM((CHUNK,), jnp.int32) for _ in range(NB)],
          [pltpu.VMEM((CHUNK, d), jnp.float32) for _ in range(NB)],
          [pltpu.SemaphoreType.DMA for _ in range(NB)],
          [pltpu.SemaphoreType.DMA for _ in range(NB)],
          [pltpu.SemaphoreType.DMA for _ in range(NB)],
      ],
  )
  def agg(x_hbm, src_hbm, wexp_hbm, dst_hbm, out_hbm,
          acc_sh, src_v, wexp_v, dst_v, rows_v, gsem, isem, ssem):
    c = lax.axis_index("c")
    s = lax.axis_index("s")
    wid = s * NC + c
    tbase = wid * ept

    def zero_row(r, carry):
      for g in range(LANES):
        rows_v[0][r, pl.ds(g * 16, 16)] = jnp.zeros((16,), jnp.float32)
      return carry

    lax.fori_loop(0, CHUNK, zero_row, 0)
    zcps = []
    for k in range(nzfull):
      zcps.append(pltpu.make_async_copy(
          rows_v[0],
          acc_sh.at[pl.ds(s * rows_per_tile + k * CHUNK, CHUNK)], gsem[0]))
    if zrem:
      zcps.append(pltpu.make_async_copy(
          rows_v[0].at[pl.ds(0, zrem)],
          acc_sh.at[pl.ds(s * rows_per_tile + nzfull * CHUNK, zrem)],
          gsem[0]))
    for cp in zcps:
      cp.start()
    for cp in zcps:
      cp.wait()
    plsc.subcore_barrier()

    def fire_aux(b, ci):
      pltpu.async_copy(src_hbm.at[pl.ds(tbase + ci * CHUNK, CHUNK)],
                       src_v[b], isem[b])
      pltpu.async_copy(wexp_hbm.at[pl.ds(tbase + ci * CHUNK, CHUNK)],
                       wexp_v[b], isem[b])

    def fire_main(b, ci):
      pltpu.async_copy(x_hbm.at[src_v[b]], rows_v[b], gsem[b])
      pltpu.async_copy(dst_hbm.at[pl.ds(tbase + ci * CHUNK, CHUNK)],
                       dst_v[b], isem[b])

    def wait_aux(b):
      pltpu.make_async_copy(
          src_hbm.at[pl.ds(0, CHUNK)], src_v[b], isem[b]).wait()
      pltpu.make_async_copy(
          wexp_hbm.at[pl.ds(0, CHUNK)], wexp_v[b], isem[b]).wait()

    def wait_main(b):
      pltpu.make_async_copy(x_hbm.at[src_v[b]], rows_v[b], gsem[b]).wait()
      pltpu.make_async_copy(
          dst_hbm.at[pl.ds(0, CHUNK)], dst_v[b], isem[b]).wait()

    def wait_scatter(b):
      pltpu.make_async_copy(rows_v[b], acc_sh.at[dst_v[b]], ssem[b]).wait()

    for b in range(NB):
      fire_aux(b, b)
    for b in range(NB):
      wait_aux(b)
      fire_main(b, b)

    def pair_body(p, carry):
      more = p + 1 < npairs
      for b in range(NB):
        ci = p * NB + b
        wait_main(b)

        def mul_body(e, carry2, b=b):
          wv = wexp_v[b][e]
          for g2 in range(LANES):
            rows_v[b][e, pl.ds(g2 * 16, 16)] = (
                rows_v[b][e, pl.ds(g2 * 16, 16)] * wv)
          return carry2

        lax.fori_loop(0, CHUNK, mul_body, 0)
        pltpu.async_copy(rows_v[b], acc_sh.at[dst_v[b]], ssem[b], add=True)

        @pl.when(more)
        def _(b=b, ci=ci):
          fire_aux(b, ci + NB)
      @pl.when(more)
      def _():
        for b in range(NB):
          ci = p * NB + b
          wait_aux(b)
          wait_scatter(b)
          fire_main(b, ci + NB)
      return carry

    lax.fori_loop(0, npairs, pair_body, 0)
    for b in range(NB):
      wait_scatter(b)
    plsc.subcore_barrier()

    pltpu.sync_copy(acc_sh.at[pl.ds(s * rows_per_tile, rows_per_tile)],
                    out_hbm.at[c, pl.ds(s * rows_per_tile, rows_per_tile)])

  return agg(x, src, wexp, dst)


def _combine_matmul(partials, w, b2, n_nodes, d, u, block_rows):

  def body(p_ref, w_ref, b_ref, o_ref):
    p = p_ref[...]
    acc = p[0] + p[1]
    o_ref[...] = (
        jnp.dot(acc, w_ref[...], preferred_element_type=jnp.float32)
        + b_ref[...]
    )

  grid = (n_nodes // block_rows,)
  return pl.pallas_call(
      body,
      grid=grid,
      in_specs=[
          pl.BlockSpec((NC, block_rows, d), lambda i: (0, i, 0)),
          pl.BlockSpec((d, u), lambda i: (0, 0)),
          pl.BlockSpec((1, u), lambda i: (0, 0)),
      ],
      out_specs=pl.BlockSpec((block_rows, u), lambda i: (i, 0)),
      out_shape=jax.ShapeDtypeStruct((n_nodes, u), jnp.float32),
  )(partials, w, b2)


def kernel(x, edge_index, edge_weight, W, b):
  n_nodes, d = x.shape
  u = W.shape[1]
  e = edge_index.shape[1]

  src = edge_index[0].astype(jnp.int32)
  dst = edge_index[1].astype(jnp.int32)
  w = edge_weight.astype(jnp.float32)

  ntiles = NC * NS
  ept = -(-e // (ntiles * CHUNK * NB)) * CHUNK * NB
  pe = ntiles * ept
  if pe != e:
    pad = pe - e
    src = jnp.concatenate([src, jnp.zeros((pad,), jnp.int32)])
    dst = jnp.concatenate([dst, jnp.zeros((pad,), jnp.int32)])
    w = jnp.concatenate([w, jnp.zeros((pad,), jnp.float32)])
  wexp = jnp.broadcast_to(w[:, None], (pe, 16))

  partials = _sc_aggregate(x, src, wexp, dst, n_nodes, d, ept)
  partials = partials[:, :n_nodes]
  return _combine_matmul(partials, W, b.reshape(1, u), n_nodes, d, u, 1000)

# --- scband reference (transcript-rebuilt; emitter-appended) ---
"""Pipeline reference for scband-gcnconv-86311662780630 (READ-ONLY COPY).

The authoritative reference and input builder live on the scoring server;
editing this copy changes nothing except your own understanding.
"""

import jax, jax.numpy as jnp
import numpy as np

N = 10000
E = 320000
D = 128
U = 128

def setup_inputs(seed: int = 0) -> dict:
    key = jax.random.key(seed)
    k1, k2, k3, k4 = jax.random.split(key, 4)
    x = jax.random.normal(k1, (N, D), dtype=jnp.float32)
    edge_index = jax.random.randint(k2, (2, E), 0, N, dtype=jnp.int64)
    edge_weight = jax.random.uniform(k3, (E,), dtype=jnp.float32)
    # learned parameters per build(): weight (fdim, units), bias (units,)
    limit = np.sqrt(6.0 / (D + U))  # glorot_uniform
    W = jax.random.uniform(k4, (D, U), dtype=jnp.float32, minval=-limit, maxval=limit)
    b = jnp.zeros((U,), dtype=jnp.float32)
    return {"x": x, "edge_index": edge_index, "edge_weight": edge_weight, "W": W, "b": b}

def reference(x, edge_index, edge_weight, W, b):
    # h = dot(X, weight)
    h = jnp.dot(x, W)
    # output = spdot(An, h): sparse adjacency An represented as COO
    # (edge_index row/col, edge_weight values). An[dst, src] * h[src] summed into dst.
    src = edge_index[0]
    dst = edge_index[1]
    msgs = edge_weight[:, None] * jnp.take(h, src, axis=0)
    out = jax.ops.segment_sum(msgs, dst, num_segments=N)
    # bias add; default activation is identity (lambda x: x)
    out = out + b
    return out

if __name__ == "__main__":
    import jax
    _d = setup_inputs()
    print(jax.jit(kernel)(*tuple(_d.values())))

</pallas_src>

<mosaic_0001>
#map = affine_map<(d0, d1) -> (0, 0)>
#map1 = affine_map<(d0, d1) -> (0)>
#map2 = affine_map<(d0, d1) -> (0, 0, 0)>
module attributes {stable_mosaic.version = 14 : i64} {
  func.func @agg(%arg0: i32, %arg1: i32, %arg2: memref<10000x128xf32, #tpu.memory_space<hbm>>, %arg3: memref<323584xi32, #tpu.memory_space<hbm>>, %arg4: memref<323584x16xf32, #tpu.memory_space<hbm>>, %arg5: memref<323584xi32, #tpu.memory_space<hbm>>, %arg6: memref<2x10112x128xf32, #tpu.memory_space<hbm>>, %arg7: memref<10112x128xf32, #tpu.memory_space<vmem_shared>>, %arg8: memref<64xi32, #tpu.memory_space<vmem>>, %arg9: memref<64xi32, #tpu.memory_space<vmem>>, %arg10: memref<64x16xf32, #tpu.memory_space<vmem>>, %arg11: memref<64x16xf32, #tpu.memory_space<vmem>>, %arg12: memref<64xi32, #tpu.memory_space<vmem>>, %arg13: memref<64xi32, #tpu.memory_space<vmem>>, %arg14: memref<64x128xf32, #tpu.memory_space<vmem>>, %arg15: memref<64x128xf32, #tpu.memory_space<vmem>>, %arg16: memref<!tpu.dma_semaphore, #tpu.memory_space<semaphore_mem>>, %arg17: memref<!tpu.dma_semaphore, #tpu.memory_space<semaphore_mem>>, %arg18: memref<!tpu.dma_semaphore, #tpu.memory_space<semaphore_mem>>, %arg19: memref<!tpu.dma_semaphore, #tpu.memory_space<semaphore_mem>>, %arg20: memref<!tpu.dma_semaphore, #tpu.memory_space<semaphore_mem>>, %arg21: memref<!tpu.dma_semaphore, #tpu.memory_space<semaphore_mem>>) attributes {dimension_semantics = [#tpu.dimension_semantics<core_parallel>, #tpu.dimension_semantics<subcore_parallel>], iteration_bounds = array<i64: 2, 16>, scalar_prefetch = 0 : i64, scratch_operands = 15 : i64, tpu.core_type = #tpu.core_type<sc_vector_subcore>, window_params = [{transform_indices = #map}, {transform_indices = #map1}, {transform_indices = #map}, {transform_indices = #map1}, {transform_indices = #map2}]} {
    %mul3A = arith.constant 2 : i32
    %mul3A_0 = arith.muli %arg1, %mul3A : i32
    %add3A = arith.addi %mul3A_0, %arg0 : i32
    %mul3A_1 = arith.constant 10112 : i32
    %mul3A_2 = arith.muli %add3A, %mul3A_1 : i32
    %scan3A = arith.constant 0 : i32
    %scan3A_3 = arith.constant 0 : i32
    %scan3A_4 = arith.constant 64 : i32
    %scan3A_5 = arith.addi %scan3A_3, %scan3A_4 : i32
    %scan3A_6 = arith.constant 1 : i32
    scf.for %scan3A_209 = %scan3A_3 to %scan3A_5 step %scan3A_6  : i32 {
      %broadcast_in_dim3A = arith.constant 0.000000e+00 : f32
      %broadcast_in_dim3A_210 = vector.broadcast %broadcast_in_dim3A : f32 to vector<16xf32>
      %swap3A = arith.index_cast %scan3A_209 : i32 to index
      %swap3A_211 = arith.constant 0 : index
      %swap3A_212 = tpu.vector_load %arg14[%swap3A, %swap3A_211] {strides = array<i32>} : memref<64x128xf32, #tpu.memory_space<vmem>>, vector<1x16xf32>,
      %swap3A_213 = vector.shape_cast %swap3A_212 : vector<1x16xf32> to vector<16xf32>
      %swap3A_214 = vector.shape_cast %broadcast_in_dim3A_210 : vector<16xf32> to vector<1x16xf32>
      tpu.vector_store %arg14[%swap3A, %swap3A_211], %swap3A_214 {strides = array<i32>} : memref<64x128xf32, #tpu.memory_space<vmem>>, vector<1x16xf32>,
      %broadcast_in_dim3A_215 = arith.constant 0.000000e+00 : f32
      %broadcast_in_dim3A_216 = vector.broadcast %broadcast_in_dim3A_215 : f32 to vector<16xf32>
      %swap3A_217 = arith.index_cast %scan3A_209 : i32 to index
      %swap3A_218 = arith.constant 16 : index
      %swap3A_219 = tpu.vector_load %arg14[%swap3A_217, %swap3A_218] {strides = array<i32>} : memref<64x128xf32, #tpu.memory_space<vmem>>, vector<1x16xf32>,
      %swap3A_220 = vector.shape_cast %swap3A_219 : vector<1x16xf32> to vector<16xf32>
      %swap3A_221 = vector.shape_cast %broadcast_in_dim3A_216 : vector<16xf32> to vector<1x16xf32>
      tpu.vector_store %arg14[%swap3A_217, %swap3A_218], %swap3A_221 {strides = array<i32>} : memref<64x128xf32, #tpu.memory_space<vmem>>, vector<1x16xf32>,
      %broadcast_in_dim3A_222 = arith.constant 0.000000e+00 : f32
      %broadcast_in_dim3A_223 = vector.broadcast %broadcast_in_dim3A_222 : f32 to vector<16xf32>
      %swap3A_224 = arith.index_cast %scan3A_209 : i32 to index
      %swap3A_225 = arith.constant 32 : index
      %swap3A_226 = tpu.vector_load %arg14[%swap3A_224, %swap3A_225] {strides = array<i32>} : memref<64x128xf32, #tpu.memory_space<vmem>>, vector<1x16xf32>,
      %swap3A_227 = vector.shape_cast %swap3A_226 : vector<1x16xf32> to vector<16xf32>
      %swap3A_228 = vector.shape_cast %broadcast_in_dim3A_223 : vector<16xf32> to vector<1x16xf32>
      tpu.vector_store %arg14[%swap3A_224, %swap3A_225], %swap3A_228 {strides = array<i32>} : memref<64x128xf32, #tpu.memory_space<vmem>>, vector<1x16xf32>,
      %broadcast_in_dim3A_229 = arith.constant 0.000000e+00 : f32
      %broadcast_in_dim3A_230 = vector.broadcast %broadcast_in_dim3A_229 : f32 to vector<16xf32>
      %swap3A_231 = arith.index_cast %scan3A_209 : i32 to index
      %swap3A_232 = arith.constant 48 : index
      %swap3A_233 = tpu.vector_load %arg14[%swap3A_231, %swap3A_232] {strides = array<i32>} : memref<64x128xf32, #tpu.memory_space<vmem>>, vector<1x16xf32>,
      %swap3A_234 = vector.shape_cast %swap3A_233 : vector<1x16xf32> to vector<16xf32>
      %swap3A_235 = vector.shape_cast %broadcast_in_dim3A_230 : vector<16xf32> to vector<1x16xf32>
      tpu.vector_store %arg14[%swap3A_231, %swap3A_232], %swap3A_235 {strides = array<i32>} : memref<64x128xf32, #tpu.memory_space<vmem>>, vector<1x16xf32>,
      %broadcast_in_dim3A_236 = arith.constant 0.000000e+00 : f32
      %broadcast_in_dim3A_237 = vector.broadcast %broadcast_in_dim3A_236 : f32 to vector<16xf32>
      %swap3A_238 = arith.index_cast %scan3A_209 : i32 to index
      %swap3A_239 = arith.constant 64 : index
      %swap3A_240 = tpu.vector_load %arg14[%swap3A_238, %swap3A_239] {strides = array<i32>} : memref<64x128xf32, #tpu.memory_space<vmem>>, vector<1x16xf32>,
      %swap3A_241 = vector.shape_cast %swap3A_240 : vector<1x16xf32> to vector<16xf32>
      %swap3A_242 = vector.shape_cast %broadcast_in_dim3A_237 : vector<16xf32> to vector<1x16xf32>
      tpu.vector_store %arg14[%swap3A_238, %swap3A_239], %swap3A_242 {strides = array<i32>} : memref<64x128xf32, #tpu.memory_space<vmem>>, vector<1x16xf32>,
      %broadcast_in_dim3A_243 = arith.constant 0.000000e+00 : f32
      %broadcast_in_dim3A_244 = vector.broadcast %broadcast_in_dim3A_243 : f32 to vector<16xf32>
      %swap3A_245 = arith.index_cast %scan3A_209 : i32 to index
      %swap3A_246 = arith.constant 80 : index
      %swap3A_247 = tpu.vector_load %arg14[%swap3A_245, %swap3A_246] {strides = array<i32>} : memref<64x128xf32, #tpu.memory_space<vmem>>, vector<1x16xf32>,
      %swap3A_248 = vector.shape_cast %swap3A_247 : vector<1x16xf32> to vector<16xf32>
      %swap3A_249 = vector.shape_cast %broadcast_in_dim3A_244 : vector<16xf32> to vector<1x16xf32>
      tpu.vector_store %arg14[%swap3A_245, %swap3A_246], %swap3A_249 {strides = array<i32>} : memref<64x128xf32, #tpu.memory_space<vmem>>, vector<1x16xf32>,
      %broadcast_in_dim3A_250 = arith.constant 0.000000e+00 : f32
      %broadcast_in_dim3A_251 = vector.broadcast %broadcast_in_dim3A_250 : f32 to vector<16xf32>
      %swap3A_252 = arith.index_cast %scan3A_209 : i32 to index
      %swap3A_253 = arith.constant 96 : index
      %swap3A_254 = tpu.vector_load %arg14[%swap3A_252, %swap3A_253] {strides = array<i32>} : memref<64x128xf32, #tpu.memory_space<vmem>>, vector<1x16xf32>,
      %swap3A_255 = vector.shape_cast %swap3A_254 : vector<1x16xf32> to vector<16xf32>
      %swap3A_256 = vector.shape_cast %broadcast_in_dim3A_251 : vector<16xf32> to vector<1x16xf32>
      tpu.vector_store %arg14[%swap3A_252, %swap3A_253], %swap3A_256 {strides = array<i32>} : memref<64x128xf32, #tpu.memory_space<vmem>>, vector<1x16xf32>,
      %broadcast_in_dim3A_257 = arith.constant 0.000000e+00 : f32
      %broadcast_in_dim3A_258 = vector.broadcast %broadcast_in_dim3A_257 : f32 to vector<16xf32>
      %swap3A_259 = arith.index_cast %scan3A_209 : i32 to index
      %swap3A_260 = arith.constant 112 : index
      %swap3A_261 = tpu.vector_load %arg14[%swap3A_259, %swap3A_260] {strides = array<i32>} : memref<64x128xf32, #tpu.memory_space<vmem>>, vector<1x16xf32>,
      %swap3A_262 = vector.shape_cast %swap3A_261 : vector<1x16xf32> to vector<16xf32>
      %swap3A_263 = vector.shape_cast %broadcast_in_dim3A_258 : vector<16xf32> to vector<1x16xf32>
      tpu.vector_store %arg14[%swap3A_259, %swap3A_260], %swap3A_263 {strides = array<i32>} : memref<64x128xf32, #tpu.memory_space<vmem>>, vector<1x16xf32>,
    }
    %scan3A_7 = arith.constant 64 : i32
    %mul3A_8 = arith.constant 632 : i32
    %mul3A_9 = arith.muli %arg1, %mul3A_8 : i32
    %add3A_10 = arith.constant 0 : i32
    %add3A_11 = arith.addi %mul3A_9, %add3A_10 : i32
    %mul3A_12 = arith.constant 632 : i32
    %mul3A_13 = arith.muli %arg1, %mul3A_12 : i32
    %add3A_14 = arith.constant 64 : i32
    %add3A_15 = arith.addi %mul3A_13, %add3A_14 : i32
    %mul3A_16 = arith.constant 632 : i32
    %mul3A_17 = arith.muli %arg1, %mul3A_16 : i32
    %add3A_18 = arith.constant 128 : i32
    %add3A_19 = arith.addi %mul3A_17, %add3A_18 : i32
    %mul3A_20 = arith.constant 632 : i32
    %mul3A_21 = arith.muli %arg1, %mul3A_20 : i32
    %add3A_22 = arith.constant 192 : i32
    %add3A_23 = arith.addi %mul3A_21, %add3A_22 : i32
    %mul3A_24 = arith.constant 632 : i32
    %mul3A_25 = arith.muli %arg1, %mul3A_24 : i32
    %add3A_26 = arith.constant 256 : i32
    %add3A_27 = arith.addi %mul3A_25, %add3A_26 : i32
    %mul3A_28 = arith.constant 632 : i32
    %mul3A_29 = arith.muli %arg1, %mul3A_28 : i32
    %add3A_30 = arith.constant 320 : i32
    %add3A_31 = arith.addi %mul3A_29, %add3A_30 : i32
    %mul3A_32 = arith.constant 632 : i32
    %mul3A_33 = arith.muli %arg1, %mul3A_32 : i32
    %add3A_34 = arith.constant 384 : i32
    %add3A_35 = arith.addi %mul3A_33, %add3A_34 : i32
    %mul3A_36 = arith.constant 632 : i32
    %mul3A_37 = arith.muli %arg1, %mul3A_36 : i32
    %add3A_38 = arith.constant 448 : i32
    %add3A_39 = arith.addi %mul3A_37, %add3A_38 : i32
    %mul3A_40 = arith.constant 632 : i32
    %mul3A_41 = arith.muli %arg1, %mul3A_40 : i32
    %add3A_42 = arith.constant 512 : i32
    %add3A_43 = arith.addi %mul3A_41, %add3A_42 : i32
    %mul3A_44 = arith.constant 632 : i32
    %mul3A_45 = arith.muli %arg1, %mul3A_44 : i32
    %add3A_46 = arith.constant 576 : i32
    %add3A_47 = arith.addi %mul3A_45, %add3A_46 : i32
    %dma_start3A = arith.constant 0 : i32
    %dma_start3A_48 = tpu.memref_slice %arg7[%add3A_11, %dma_start3A] : memref<10112x128xf32, #tpu.memory_space<vmem_shared>> -> memref<64x128xf32, #tpu.memory_space<vmem_shared>>
    %dma_start3A_49 = arith.constant 0 : i32
    %dma_start3A_50 = tpu.memref_slice %arg7[%add3A_11, %dma_start3A_49] : memref<10112x128xf32, #tpu.memory_space<vmem_shared>> -> memref<64x128xf32, #tpu.memory_space<vmem_shared>>
    tpu.enqueue_dma source(%arg14 : memref<64x128xf32, #tpu.memory_space<vmem>>) target(%dma_start3A_50 : memref<64x128xf32, #tpu.memory_space<vmem_shared>>) target_semaphore(%arg16 : memref<!tpu.dma_semaphore, #tpu.memory_space<semaphore_mem>>)
    %dma_start3A_51 = arith.constant 0 : i32
    %dma_start3A_52 = tpu.memref_slice %arg7[%add3A_15, %dma_start3A_51] : memref<10112x128xf32, #tpu.memory_space<vmem_shared>> -> memref<64x128xf32, #tpu.memory_space<vmem_shared>>
    %dma_start3A_53 = arith.constant 0 : i32
    %dma_start3A_54 = tpu.memref_slice %arg7[%add3A_15, %dma_start3A_53] : memref<10112x128xf32, #tpu.memory_space<vmem_shared>> -> memref<64x128xf32, #tpu.memory_space<vmem_shared>>
    tpu.enqueue_dma source(%arg14 : memref<64x128xf32, #tpu.memory_space<vmem>>) target(%dma_start3A_54 : memref<64x128xf32, #tpu.memory_space<vmem_shared>>) target_semaphore(%arg16 : memref<!tpu.dma_semaphore, #tpu.memory_space<semaphore_mem>>)
    %dma_start3A_55 = arith.constant 0 : i32
    %dma_start3A_56 = tpu.memref_slice %arg7[%add3A_19, %dma_start3A_55] : memref<10112x128xf32, #tpu.memory_space<vmem_shared>> -> memref<64x128xf32, #tpu.memory_space<vmem_shared>>
    %dma_start3A_57 = arith.constant 0 : i32
    %dma_start3A_58 = tpu.memref_slice %arg7[%add3A_19, %dma_start3A_57] : memref<10112x128xf32, #tpu.memory_space<vmem_shared>> -> memref<64x128xf32, #tpu.memory_space<vmem_shared>>
    tpu.enqueue_dma source(%arg14 : memref<64x128xf32, #tpu.memory_space<vmem>>) target(%dma_start3A_58 : memref<64x128xf32, #tpu.memory_space<vmem_shared>>) target_semaphore(%arg16 : memref<!tpu.dma_semaphore, #tpu.memory_space<semaphore_mem>>)
    %dma_start3A_59 = arith.constant 0 : i32
    %dma_start3A_60 = tpu.memref_slice %arg7[%add3A_23, %dma_start3A_59] : memref<10112x128xf32, #tpu.memory_space<vmem_shared>> -> memref<64x128xf32, #tpu.memory_space<vmem_shared>>
    %dma_start3A_61 = arith.constant 0 : i32
    %dma_start3A_62 = tpu.memref_slice %arg7[%add3A_23, %dma_start3A_61] : memref<10112x128xf32, #tpu.memory_space<vmem_shared>> -> memref<64x128xf32, #tpu.memory_space<vmem_shared>>
    tpu.enqueue_dma source(%arg14 : memref<64x128xf32, #tpu.memory_space<vmem>>) target(%dma_start3A_62 : memref<64x128xf32, #tpu.memory_space<vmem_shared>>) target_semaphore(%arg16 : memref<!tpu.dma_semaphore, #tpu.memory_space<semaphore_mem>>)
    %dma_start3A_63 = arith.constant 0 : i32
    %dma_start3A_64 = tpu.memref_slice %arg7[%add3A_27, %dma_start3A_63] : memref<10112x128xf32, #tpu.memory_space<vmem_shared>> -> memref<64x128xf32, #tpu.memory_space<vmem_shared>>
    %dma_start3A_65 = arith.constant 0 : i32
    %dma_start3A_66 = tpu.memref_slice %arg7[%add3A_27, %dma_start3A_65] : memref<10112x128xf32, #tpu.memory_space<vmem_shared>> -> memref<64x128xf32, #tpu.memory_space<vmem_shared>>
    tpu.enqueue_dma source(%arg14 : memref<64x128xf32, #tpu.memory_space<vmem>>) target(%dma_start3A_66 : memref<64x128xf32, #tpu.memory_space<vmem_shared>>) target_semaphore(%arg16 : memref<!tpu.dma_semaphore, #tpu.memory_space<semaphore_mem>>)
    %dma_start3A_67 = arith.constant 0 : i32
    %dma_start3A_68 = tpu.memref_slice %arg7[%add3A_31, %dma_start3A_67] : memref<10112x128xf32, #tpu.memory_space<vmem_shared>> -> memref<64x128xf32, #tpu.memory_space<vmem_shared>>
    %dma_start3A_69 = arith.constant 0 : i32
    %dma_start3A_70 = tpu.memref_slice %arg7[%add3A_31, %dma_start3A_69] : memref<10112x128xf32, #tpu.memory_space<vmem_shared>> -> memref<64x128xf32, #tpu.memory_space<vmem_shared>>
    tpu.enqueue_dma source(%arg14 : memref<64x128xf32, #tpu.memory_space<vmem>>) target(%dma_start3A_70 : memref<64x128xf32, #tpu.memory_space<vmem_shared>>) target_semaphore(%arg16 : memref<!tpu.dma_semaphore, #tpu.memory_space<semaphore_mem>>)
    %dma_start3A_71 = arith.constant 0 : i32
    %dma_start3A_72 = tpu.memref_slice %arg7[%add3A_35, %dma_start3A_71] : memref<10112x128xf32, #tpu.memory_space<vmem_shared>> -> memref<64x128xf32, #tpu.memory_space<vmem_shared>>
    %dma_start3A_73 = arith.constant 0 : i32
    %dma_start3A_74 = tpu.memref_slice %arg7[%add3A_35, %dma_start3A_73] : memref<10112x128xf32, #tpu.memory_space<vmem_shared>> -> memref<64x128xf32, #tpu.memory_space<vmem_shared>>
    tpu.enqueue_dma source(%arg14 : memref<64x128xf32, #tpu.memory_space<vmem>>) target(%dma_start3A_74 : memref<64x128xf32, #tpu.memory_space<vmem_shared>>) target_semaphore(%arg16 : memref<!tpu.dma_semaphore, #tpu.memory_space<semaphore_mem>>)
    %dma_start3A_75 = arith.constant 0 : i32
    %dma_start3A_76 = tpu.memref_slice %arg7[%add3A_39, %dma_start3A_75] : memref<10112x128xf32, #tpu.memory_space<vmem_shared>> -> memref<64x128xf32, #tpu.memory_space<vmem_shared>>
    %dma_start3A_77 = arith.constant 0 : i32
    %dma_start3A_78 = tpu.memref_slice %arg7[%add3A_39, %dma_start3A_77] : memref<10112x128xf32, #tpu.memory_space<vmem_shared>> -> memref<64x128xf32, #tpu.memory_space<vmem_shared>>
    tpu.enqueue_dma source(%arg14 : memref<64x128xf32, #tpu.memory_space<vmem>>) target(%dma_start3A_78 : memref<64x128xf32, #tpu.memory_space<vmem_shared>>) target_semaphore(%arg16 : memref<!tpu.dma_semaphore, #tpu.memory_space<semaphore_mem>>)
    %dma_start3A_79 = arith.constant 0 : i32
    %dma_start3A_80 = tpu.memref_slice %arg7[%add3A_43, %dma_start3A_79] : memref<10112x128xf32, #tpu.memory_space<vmem_shared>> -> memref<64x128xf32, #tpu.memory_space<vmem_shared>>
    %dma_start3A_81 = arith.constant 0 : i32
    %dma_start3A_82 = tpu.memref_slice %arg7[%add3A_43, %dma_start3A_81] : memref<10112x128xf32, #tpu.memory_space<vmem_shared>> -> memref<64x128xf32, #tpu.memory_space<vmem_shared>>
    tpu.enqueue_dma source(%arg14 : memref<64x128xf32, #tpu.memory_space<vmem>>) target(%dma_start3A_82 : memref<64x128xf32, #tpu.memory_space<vmem_shared>>) target_semaphore(%arg16 : memref<!tpu.dma_semaphore, #tpu.memory_space<semaphore_mem>>)
    %dma_start3A_83 = arith.constant 0 : i32
    %dma_start3A_84 = arith.constant 0 : i32
    %dma_start3A_85 = tpu.memref_slice %arg14[%dma_start3A_83, %dma_start3A_84] : memref<64x128xf32, #tpu.memory_space<vmem>> -> memref<56x128xf32, #tpu.memory_space<vmem>>
    %dma_start3A_86 = arith.constant 0 : i32
    %dma_start3A_87 = tpu.memref_slice %arg7[%add3A_47, %dma_start3A_86] : memref<10112x128xf32, #tpu.memory_space<vmem_shared>> -> memref<56x128xf32, #tpu.memory_space<vmem_shared>>
    %dma_start3A_88 = arith.constant 0 : i32
    %dma_start3A_89 = tpu.memref_slice %arg7[%add3A_47, %dma_start3A_88] : memref<10112x128xf32, #tpu.memory_space<vmem_shared>> -> memref<56x128xf32, #tpu.memory_space<vmem_shared>>
    %dma_start3A_90 = arith.constant 0 : i32
    %dma_start3A_91 = arith.constant 0 : i32
    %dma_start3A_92 = tpu.memref_slice %arg14[%dma_start3A_90, %dma_start3A_91] : memref<64x128xf32, #tpu.memory_space<vmem>> -> memref<56x128xf32, #tpu.memory_space<vmem>>
    tpu.enqueue_dma source(%dma_start3A_92 : memref<56x128xf32, #tpu.memory_space<vmem>>) target(%dma_start3A_89 : memref<56x128xf32, #tpu.memory_space<vmem_shared>>) target_semaphore(%arg16 : memref<!tpu.dma_semaphore, #tpu.memory_space<semaphore_mem>>)
    %dma_wait3A = arith.constant 0 : i32
    %dma_wait3A_93 = tpu.memref_slice %arg7[%add3A_11, %dma_wait3A] : memref<10112x128xf32, #tpu.memory_space<vmem_shared>> -> memref<64x128xf32, #tpu.memory_space<vmem_shared>>
    %dma_wait3A_94 = arith.constant 0 : i32
    %dma_wait3A_95 = tpu.memref_slice %arg7[%add3A_11, %dma_wait3A_94] : memref<10112x128xf32, #tpu.memory_space<vmem_shared>> -> memref<64x128xf32, #tpu.memory_space<vmem_shared>>
    tpu.wait_dma2 semaphore(%arg16 : memref<!tpu.dma_semaphore, #tpu.memory_space<semaphore_mem>>) src(%arg14 : memref<64x128xf32, #tpu.memory_space<vmem>>) dst(%dma_wait3A_95 : memref<64x128xf32, #tpu.memory_space<vmem_shared>>)
    %dma_wait3A_96 = arith.constant 0 : i32
    %dma_wait3A_97 = tpu.memref_slice %arg7[%add3A_15, %dma_wait3A_96] : memref<10112x128xf32, #tpu.memory_space<vmem_shared>> -> memref<64x128xf32, #tpu.memory_space<vmem_shared>>
    %dma_wait3A_98 = arith.constant 0 : i32
    %dma_wait3A_99 = tpu.memref_slice %arg7[%add3A_15, %dma_wait3A_98] : memref<10112x128xf32, #tpu.memory_space<vmem_shared>> -> memref<64x128xf32, #tpu.memory_space<vmem_shared>>
    tpu.wait_dma2 semaphore(%arg16 : memref<!tpu.dma_semaphore, #tpu.memory_space<semaphore_mem>>) src(%arg14 : memref<64x128xf32, #tpu.memory_space<vmem>>) dst(%dma_wait3A_99 : memref<64x128xf32, #tpu.memory_space<vmem_shared>>)
    %dma_wait3A_100 = arith.constant 0 : i32
    %dma_wait3A_101 = tpu.memref_slice %arg7[%add3A_19, %dma_wait3A_100] : memref<10112x128xf32, #tpu.memory_space<vmem_shared>> -> memref<64x128xf32, #tpu.memory_space<vmem_shared>>
    %dma_wait3A_102 = arith.constant 0 : i32
    %dma_wait3A_103 = tpu.memref_slice %arg7[%add3A_19, %dma_wait3A_102] : memref<10112x128xf32, #tpu.memory_space<vmem_shared>> -> memref<64x128xf32, #tpu.memory_space<vmem_shared>>
    tpu.wait_dma2 semaphore(%arg16 : memref<!tpu.dma_semaphore, #tpu.memory_space<semaphore_mem>>) src(%arg14 : memref<64x128xf32, #tpu.memory_space<vmem>>) dst(%dma_wait3A_103 : memref<64x128xf32, #tpu.memory_space<vmem_shared>>)
    %dma_wait3A_104 = arith.constant 0 : i32
    %dma_wait3A_105 = tpu.memref_slice %arg7[%add3A_23, %dma_wait3A_104] : memref<10112x128xf32, #tpu.memory_space<vmem_shared>> -> memref<64x128xf32, #tpu.memory_space<vmem_shared>>
    %dma_wait3A_106 = arith.constant 0 : i32
    %dma_wait3A_107 = tpu.memref_slice %arg7[%add3A_23, %dma_wait3A_106] : memref<10112x128xf32, #tpu.memory_space<vmem_shared>> -> memref<64x128xf32, #tpu.memory_space<vmem_shared>>
    tpu.wait_dma2 semaphore(%arg16 : memref<!tpu.dma_semaphore, #tpu.memory_space<semaphore_mem>>) src(%arg14 : memref<64x128xf32, #tpu.memory_space<vmem>>) dst(%dma_wait3A_107 : memref<64x128xf32, #tpu.memory_space<vmem_shared>>)
    %dma_wait3A_108 = arith.constant 0 : i32
    %dma_wait3A_109 = tpu.memref_slice %arg7[%add3A_27, %dma_wait3A_108] : memref<10112x128xf32, #tpu.memory_space<vmem_shared>> -> memref<64x128xf32, #tpu.memory_space<vmem_shared>>
    %dma_wait3A_110 = arith.constant 0 : i32
    %dma_wait3A_111 = tpu.memref_slice %arg7[%add3A_27, %dma_wait3A_110] : memref<10112x128xf32, #tpu.memory_space<vmem_shared>> -> memref<64x128xf32, #tpu.memory_space<vmem_shared>>
    tpu.wait_dma2 semaphore(%arg16 : memref<!tpu.dma_semaphore, #tpu.memory_space<semaphore_mem>>) src(%arg14 : memref<64x128xf32, #tpu.memory_space<vmem>>) dst(%dma_wait3A_111 : memref<64x128xf32, #tpu.memory_space<vmem_shared>>)
    %dma_wait3A_112 = arith.constant 0 : i32
    %dma_wait3A_113 = tpu.memref_slice %arg7[%add3A_31, %dma_wait3A_112] : memref<10112x128xf32, #tpu.memory_space<vmem_shared>> -> memref<64x128xf32, #tpu.memory_space<vmem_shared>>
    %dma_wait3A_114 = arith.constant 0 : i32
    %dma_wait3A_115 = tpu.memref_slice %arg7[%add3A_31, %dma_wait3A_114] : memref<10112x128xf32, #tpu.memory_space<vmem_shared>> -> memref<64x128xf32, #tpu.memory_space<vmem_shared>>
    tpu.wait_dma2 semaphore(%arg16 : memref<!tpu.dma_semaphore, #tpu.memory_space<semaphore_mem>>) src(%arg14 : memref<64x128xf32, #tpu.memory_space<vmem>>) dst(%dma_wait3A_115 : memref<64x128xf32, #tpu.memory_space<vmem_shared>>)
    %dma_wait3A_116 = arith.constant 0 : i32
    %dma_wait3A_117 = tpu.memref_slice %arg7[%add3A_35, %dma_wait3A_116] : memref<10112x128xf32, #tpu.memory_space<vmem_shared>> -> memref<64x128xf32, #tpu.memory_space<vmem_shared>>
    %dma_wait3A_118 = arith.constant 0 : i32
    %dma_wait3A_119 = tpu.memref_slice %arg7[%add3A_35, %dma_wait3A_118] : memref<10112x128xf32, #tpu.memory_space<vmem_shared>> -> memref<64x128xf32, #tpu.memory_space<vmem_shared>>
    tpu.wait_dma2 semaphore(%arg16 : memref<!tpu.dma_semaphore, #tpu.memory_space<semaphore_mem>>) src(%arg14 : memref<64x128xf32, #tpu.memory_space<vmem>>) dst(%dma_wait3A_119 : memref<64x128xf32, #tpu.memory_space<vmem_shared>>)
    %dma_wait3A_120 = arith.constant 0 : i32
    %dma_wait3A_121 = tpu.memref_slice %arg7[%add3A_39, %dma_wait3A_120] : memref<10112x128xf32, #tpu.memory_space<vmem_shared>> -> memref<64x128xf32, #tpu.memory_space<vmem_shared>>
    %dma_wait3A_122 = arith.constant 0 : i32
    %dma_wait3A_123 = tpu.memref_slice %arg7[%add3A_39, %dma_wait3A_122] : memref<10112x128xf32, #tpu.memory_space<vmem_shared>> -> memref<64x128xf32, #tpu.memory_space<vmem_shared>>
    tpu.wait_dma2 semaphore(%arg16 : memref<!tpu.dma_semaphore, #tpu.memory_space<semaphore_mem>>) src(%arg14 : memref<64x128xf32, #tpu.memory_space<vmem>>) dst(%dma_wait3A_123 : memref<64x128xf32, #tpu.memory_space<vmem_shared>>)
    %dma_wait3A_124 = arith.constant 0 : i32
    %dma_wait3A_125 = tpu.memref_slice %arg7[%add3A_43, %dma_wait3A_124] : memref<10112x128xf32, #tpu.memory_space<vmem_shared>> -> memref<64x128xf32, #tpu.memory_space<vmem_shared>>
    %dma_wait3A_126 = arith.constant 0 : i32
    %dma_wait3A_127 = tpu.memref_slice %arg7[%add3A_43, %dma_wait3A_126] : memref<10112x128xf32, #tpu.memory_space<vmem_shared>> -> memref<64x128xf32, #tpu.memory_space<vmem_shared>>
    tpu.wait_dma2 semaphore(%arg16 : memref<!tpu.dma_semaphore, #tpu.memory_space<semaphore_mem>>) src(%arg14 : memref<64x128xf32, #tpu.memory_space<vmem>>) dst(%dma_wait3A_127 : memref<64x128xf32, #tpu.memory_space<vmem_shared>>)
    %dma_wait3A_128 = arith.constant 0 : i32
    %dma_wait3A_129 = arith.constant 0 : i32
    %dma_wait3A_130 = tpu.memref_slice %arg14[%dma_wait3A_128, %dma_wait3A_129] : memref<64x128xf32, #tpu.memory_space<vmem>> -> memref<56x128xf32, #tpu.memory_space<vmem>>
    %dma_wait3A_131 = arith.constant 0 : i32
    %dma_wait3A_132 = tpu.memref_slice %arg7[%add3A_47, %dma_wait3A_131] : memref<10112x128xf32, #tpu.memory_space<vmem_shared>> -> memref<56x128xf32, #tpu.memory_space<vmem_shared>>
    %dma_wait3A_133 = arith.constant 0 : i32
    %dma_wait3A_134 = tpu.memref_slice %arg7[%add3A_47, %dma_wait3A_133] : memref<10112x128xf32, #tpu.memory_space<vmem_shared>> -> memref<56x128xf32, #tpu.memory_space<vmem_shared>>
    %dma_wait3A_135 = arith.constant 0 : i32
    %dma_wait3A_136 = arith.constant 0 : i32
    %dma_wait3A_137 = tpu.memref_slice %arg14[%dma_wait3A_135, %dma_wait3A_136] : memref<64x128xf32, #tpu.memory_space<vmem>> -> memref<56x128xf32, #tpu.memory_space<vmem>>
    tpu.wait_dma2 semaphore(%arg16 : memref<!tpu.dma_semaphore, #tpu.memory_space<semaphore_mem>>) src(%dma_wait3A_137 : memref<56x128xf32, #tpu.memory_space<vmem>>) dst(%dma_wait3A_134 : memref<56x128xf32, #tpu.memory_space<vmem_shared>>)
    %barrier3A = arith.constant 0 : index
    tpu.barrier barrier_id(%barrier3A)
    %add3A_138 = arith.constant 0 : i32
    %add3A_139 = arith.addi %mul3A_2, %add3A_138 : i32
    %dma_start3A_140 = tpu.memref_slice %arg3[%add3A_139] : memref<323584xi32, #tpu.memory_space<hbm>> -> memref<64xi32, #tpu.memory_space<hbm>>
    %dma_start3A_141 = tpu.memref_slice %arg3[%add3A_139] : memref<323584xi32, #tpu.memory_space<hbm>> -> memref<64xi32, #tpu.memory_space<hbm>>
    tpu.enqueue_dma source(%dma_start3A_141 : memref<64xi32, #tpu.memory_space<hbm>>) target(%arg8 : memref<64xi32, #tpu.memory_space<vmem>>) target_semaphore(%arg18 : memref<!tpu.dma_semaphore, #tpu.memory_space<semaphore_mem>>)
    %add3A_142 = arith.constant 0 : i32
    %add3A_143 = arith.addi %mul3A_2, %add3A_142 : i32
    %dma_start3A_144 = arith.constant 0 : i32
    %dma_start3A_145 = tpu.memref_slice %arg4[%add3A_143, %dma_start3A_144] : memref<323584x16xf32, #tpu.memory_space<hbm>> -> memref<64x16xf32, #tpu.memory_space<hbm>>
    %dma_start3A_146 = arith.constant 0 : i32
    %dma_start3A_147 = tpu.memref_slice %arg4[%add3A_143, %dma_start3A_146] : memref<323584x16xf32, #tpu.memory_space<hbm>> -> memref<64x16xf32, #tpu.memory_space<hbm>>
    tpu.enqueue_dma source(%dma_start3A_147 : memref<64x16xf32, #tpu.memory_space<hbm>>) target(%arg10 : memref<64x16xf32, #tpu.memory_space<vmem>>) target_semaphore(%arg18 : memref<!tpu.dma_semaphore, #tpu.memory_space<semaphore_mem>>)
    %add3A_148 = arith.constant 64 : i32
    %add3A_149 = arith.addi %mul3A_2, %add3A_148 : i32
    %dma_start3A_150 = tpu.memref_slice %arg3[%add3A_149] : memref<323584xi32, #tpu.memory_space<hbm>> -> memref<64xi32, #tpu.memory_space<hbm>>
    %dma_start3A_151 = tpu.memref_slice %arg3[%add3A_149] : memref<323584xi32, #tpu.memory_space<hbm>> -> memref<64xi32, #tpu.memory_space<hbm>>
    tpu.enqueue_dma source(%dma_start3A_151 : memref<64xi32, #tpu.memory_space<hbm>>) target(%arg9 : memref<64xi32, #tpu.memory_space<vmem>>) target_semaphore(%arg19 : memref<!tpu.dma_semaphore, #tpu.memory_space<semaphore_mem>>)
    %add3A_152 = arith.constant 64 : i32
    %add3A_153 = arith.addi %mul3A_2, %add3A_152 : i32
    %dma_start3A_154 = arith.constant 0 : i32
    %dma_start3A_155 = tpu.memref_slice %arg4[%add3A_153, %dma_start3A_154] : memref<323584x16xf32, #tpu.memory_space<hbm>> -> memref<64x16xf32, #tpu.memory_space<hbm>>
    %dma_start3A_156 = arith.constant 0 : i32
    %dma_start3A_157 = tpu.memref_slice %arg4[%add3A_153, %dma_start3A_156] : memref<323584x16xf32, #tpu.memory_space<hbm>> -> memref<64x16xf32, #tpu.memory_space<hbm>>
    tpu.enqueue_dma source(%dma_start3A_157 : memref<64x16xf32, #tpu.memory_space<hbm>>) target(%arg11 : memref<64x16xf32, #tpu.memory_space<vmem>>) target_semaphore(%arg19 : memref<!tpu.dma_semaphore, #tpu.memory_space<semaphore_mem>>)
    %dma_wait3A_158 = arith.constant 0 : i32
    %dma_wait3A_159 = tpu.memref_slice %arg3[%dma_wait3A_158] : memref<323584xi32, #tpu.memory_space<hbm>> -> memref<64xi32, #tpu.memory_space<hbm>>
    %dma_wait3A_160 = arith.constant 0 : i32
    %dma_wait3A_161 = tpu.memref_slice %arg3[%dma_wait3A_160] : memref<323584xi32, #tpu.memory_space<hbm>> -> memref<64xi32, #tpu.memory_space<hbm>>
    tpu.wait_dma2 semaphore(%arg18 : memref<!tpu.dma_semaphore, #tpu.memory_space<semaphore_mem>>) src(%dma_wait3A_161 : memref<64xi32, #tpu.memory_space<hbm>>) dst(%arg8 : memref<64xi32, #tpu.memory_space<vmem>>)
    %dma_wait3A_162 = arith.constant 0 : i32
    %dma_wait3A_163 = arith.constant 0 : i32
    %dma_wait3A_164 = tpu.memref_slice %arg4[%dma_wait3A_162, %dma_wait3A_163] : memref<323584x16xf32, #tpu.memory_space<hbm>> -> memref<64x16xf32, #tpu.memory_space<hbm>>
    %dma_wait3A_165 = arith.constant 0 : i32
    %dma_wait3A_166 = arith.constant 0 : i32
    %dma_wait3A_167 = tpu.memref_slice %arg4[%dma_wait3A_165, %dma_wait3A_166] : memref<323584x16xf32, #tpu.memory_space<hbm>> -> memref<64x16xf32, #tpu.memory_space<hbm>>
    tpu.wait_dma2 semaphore(%arg18 : memref<!tpu.dma_semaphore, #tpu.memory_space<semaphore_mem>>) src(%dma_wait3A_167 : memref<64x16xf32, #tpu.memory_space<hbm>>) dst(%arg10 : memref<64x16xf32, #tpu.memory_space<vmem>>)
    %dma_start3A_168 = arith.constant 0 : i32
    %dma_start3A_169 = arith.constant 0 : i32
    %dma_start3A_170 = tpu.memref_slice %arg2[%dma_start3A_168, %dma_start3A_169] : memref<10000x128xf32, #tpu.memory_space<hbm>> -> memref<10000x128xf32, #tpu.memory_space<hbm>>
    tpu.enqueue_indirect_dma source(%dma_start3A_170 : memref<10000x128xf32, #tpu.memory_space<hbm>>) target(%arg14 : memref<64x128xf32, #tpu.memory_space<vmem>>) offsets(%arg8 : memref<64xi32, #tpu.memory_space<vmem>>) semaphore(%arg16 : memref<!tpu.dma_semaphore, #tpu.memory_space<semaphore_mem>>)
    %add3A_171 = arith.constant 0 : i32
    %add3A_172 = arith.addi %mul3A_2, %add3A_171 : i32
    %dma_start3A_173 = tpu.memref_slice %arg5[%add3A_172] : memref<323584xi32, #tpu.memory_space<hbm>> -> memref<64xi32, #tpu.memory_space<hbm>>
    %dma_start3A_174 = tpu.memref_slice %arg5[%add3A_172] : memref<323584xi32, #tpu.memory_space<hbm>> -> memref<64xi32, #tpu.memory_space<hbm>>
    tpu.enqueue_dma source(%dma_start3A_174 : memref<64xi32, #tpu.memory_space<hbm>>) target(%arg12 : memref<64xi32, #tpu.memory_space<vmem>>) target_semaphore(%arg18 : memref<!tpu.dma_semaphore, #tpu.memory_space<semaphore_mem>>)
    %dma_wait3A_175 = arith.constant 0 : i32
    %dma_wait3A_176 = tpu.memref_slice %arg3[%dma_wait3A_175] : memref<323584xi32, #tpu.memory_space<hbm>> -> memref<64xi32, #tpu.memory_space<hbm>>
    %dma_wait3A_177 = arith.constant 0 : i32
    %dma_wait3A_178 = tpu.memref_slice %arg3[%dma_wait3A_177] : memref<323584xi32, #tpu.memory_space<hbm>> -> memref<64xi32, #tpu.memory_space<hbm>>
    tpu.wait_dma2 semaphore(%arg19 : memref<!tpu.dma_semaphore, #tpu.memory_space<semaphore_mem>>) src(%dma_wait3A_178 : memref<64xi32, #tpu.memory_space<hbm>>) dst(%arg9 : memref<64xi32, #tpu.memory_space<vmem>>)
    %dma_wait3A_179 = arith.constant 0 : i32
    %dma_wait3A_180 = arith.constant 0 : i32
    %dma_wait3A_181 = tpu.memref_slice %arg4[%dma_wait3A_179, %dma_wait3A_180] : memref<323584x16xf32, #tpu.memory_space<hbm>> -> memref<64x16xf32, #tpu.memory_space<hbm>>
    %dma_wait3A_182 = arith.constant 0 : i32
    %dma_wait3A_183 = arith.constant 0 : i32
    %dma_wait3A_184 = tpu.memref_slice %arg4[%dma_wait3A_182, %dma_wait3A_183] : memref<323584x16xf32, #tpu.memory_space<hbm>> -> memref<64x16xf32, #tpu.memory_space<hbm>>
    tpu.wait_dma2 semaphore(%arg19 : memref<!tpu.dma_semaphore, #tpu.memory_space<semaphore_mem>>) src(%dma_wait3A_184 : memref<64x16xf32, #tpu.memory_space<hbm>>) dst(%arg11 : memref<64x16xf32, #tpu.memory_space<vmem>>)
    %dma_start3A_185 = arith.constant 0 : i32
    %dma_start3A_186 = arith.constant 0 : i32
    %dma_start3A_187 = tpu.memref_slice %arg2[%dma_start3A_185, %dma_start3A_186] : memref<10000x128xf32, #tpu.memory_space<hbm>> -> memref<10000x128xf32, #tpu.memory_space<hbm>>
    tpu.enqueue_indirect_dma source(%dma_start3A_187 : memref<10000x128xf32, #tpu.memory_space<hbm>>) target(%arg15 : memref<64x128xf32, #tpu.memory_space<vmem>>) offsets(%arg9 : memref<64xi32, #tpu.memory_space<vmem>>) semaphore(%arg17 : memref<!tpu.dma_semaphore, #tpu.memory_space<semaphore_mem>>)
    %add3A_188 = arith.constant 64 : i32
    %add3A_189 = arith.addi %mul3A_2, %add3A_188 : i32
    %dma_start3A_190 = tpu.memref_slice %arg5[%add3A_189] : memref<323584xi32, #tpu.memory_space<hbm>> -> memref<64xi32, #tpu.memory_space<hbm>>
    %dma_start3A_191 = tpu.memref_slice %arg5[%add3A_189] : memref<323584xi32, #tpu.memory_space<hbm>> -> memref<64xi32, #tpu.memory_space<hbm>>
    tpu.enqueue_dma source(%dma_start3A_191 : memref<64xi32, #tpu.memory_space<hbm>>) target(%arg13 : memref<64xi32, #tpu.memory_space<vmem>>) target_semaphore(%arg19 : memref<!tpu.dma_semaphore, #tpu.memory_space<semaphore_mem>>)
    %scan3A_192 = arith.constant 0 : i32
    %scan3A_193 = arith.constant 0 : i32
    %scan3A_194 = arith.constant 79 : i32
    %scan3A_195 = arith.addi %scan3A_193, %scan3A_194 : i32
    %scan3A_196 = arith.constant 1 : i32
    scf.for %scan3A_209 = %scan3A_193 to %scan3A_195 step %scan3A_196  : i32 {
      %add3A_210 = arith.constant 1 : i32
      %add3A_211 = arith.addi %scan3A_209, %add3A_210 : i32
      %lt3A = arith.constant 79 : i32
      %lt3A_212 = arith.cmpi slt, %add3A_211, %lt3A : i32
      %mul3A_213 = arith.constant 2 : i32
      %mul3A_214 = arith.muli %scan3A_209, %mul3A_213 : i32
      %add3A_215 = arith.constant 0 : i32
      %add3A_216 = arith.addi %mul3A_214, %add3A_215 : i32
      %dma_wait3A_217 = arith.constant 0 : i32
      %dma_wait3A_218 = arith.constant 0 : i32
      %dma_wait3A_219 = tpu.memref_slice %arg2[%dma_wait3A_217, %dma_wait3A_218] : memref<10000x128xf32, #tpu.memory_space<hbm>> -> memref<10000x128xf32, #tpu.memory_space<hbm>>
      tpu.wait_indirect_dma semaphore(%arg16 : memref<!tpu.dma_semaphore, #tpu.memory_space<semaphore_mem>>) src(%dma_wait3A_219 : memref<10000x128xf32, #tpu.memory_space<hbm>>) dst(%arg14 : memref<64x128xf32, #tpu.memory_space<vmem>>)
      %dma_wait3A_220 = arith.constant 0 : i32
      %dma_wait3A_221 = tpu.memref_slice %arg5[%dma_wait3A_220] : memref<323584xi32, #tpu.memory_space<hbm>> -> memref<64xi32, #tpu.memory_space<hbm>>
      %dma_wait3A_222 = arith.constant 0 : i32
      %dma_wait3A_223 = tpu.memref_slice %arg5[%dma_wait3A_222] : memref<323584xi32, #tpu.memory_space<hbm>> -> memref<64xi32, #tpu.memory_space<hbm>>
      tpu.wait_dma2 semaphore(%arg18 : memref<!tpu.dma_semaphore, #tpu.memory_space<semaphore_mem>>) src(%dma_wait3A_223 : memref<64xi32, #tpu.memory_space<hbm>>) dst(%arg12 : memref<64xi32, #tpu.memory_space<vmem>>)
      %scan3A_224 = arith.constant 0 : i32
      %scan3A_225 = arith.constant 0 : i32
      %scan3A_226 = arith.constant 64 : i32
      %scan3A_227 = arith.addi %scan3A_225, %scan3A_226 : i32
      %scan3A_228 = arith.constant 1 : i32
      scf.for %scan3A_260 = %scan3A_225 to %scan3A_227 step %scan3A_228  : i32 {
        %get3A = arith.index_cast %scan3A_260 : i32 to index
        %get3A_261 = arith.constant 0 : index
        %get3A_262 = tpu.vector_load %arg10[%get3A, %get3A_261] {strides = array<i32>} : memref<64x16xf32, #tpu.memory_space<vmem>>, vector<1x16xf32>,
        %get3A_263 = vector.shape_cast %get3A_262 : vector<1x16xf32> to vector<16xf32>
        %get3A_264 = arith.index_cast %scan3A_260 : i32 to index
        %get3A_265 = arith.constant 0 : index
        %get3A_266 = tpu.vector_load %arg14[%get3A_264, %get3A_265] {strides = array<i32>} : memref<64x128xf32, #tpu.memory_space<vmem>>, vector<1x16xf32>,
        %get3A_267 = vector.shape_cast %get3A_266 : vector<1x16xf32> to vector<16xf32>
        %mul3A_268 = arith.mulf %get3A_267, %get3A_263 : vector<16xf32>
        %swap3A = arith.index_cast %scan3A_260 : i32 to index
        %swap3A_269 = arith.constant 0 : index
        %swap3A_270 = tpu.vector_load %arg14[%swap3A, %swap3A_269] {strides = array<i32>} : memref<64x128xf32, #tpu.memory_space<vmem>>, vector<1x16xf32>,
        %swap3A_271 = vector.shape_cast %swap3A_270 : vector<1x16xf32> to vector<16xf32>
        %swap3A_272 = vector.shape_cast %mul3A_268 : vector<16xf32> to vector<1x16xf32>
        tpu.vector_store %arg14[%swap3A, %swap3A_269], %swap3A_272 {strides = array<i32>} : memref<64x128xf32, #tpu.memory_space<vmem>>, vector<1x16xf32>,
        %get3A_273 = arith.index_cast %scan3A_260 : i32 to index
        %get3A_274 = arith.constant 16 : index
        %get3A_275 = tpu.vector_load %arg14[%get3A_273, %get3A_274] {strides = array<i32>} : memref<64x128xf32, #tpu.memory_space<vmem>>, vector<1x16xf32>,
        %get3A_276 = vector.shape_cast %get3A_275 : vector<1x16xf32> to vector<16xf32>
        %mul3A_277 = arith.mulf %get3A_276, %get3A_263 : vector<16xf32>
        %swap3A_278 = arith.index_cast %scan3A_260 : i32 to index
        %swap3A_279 = arith.constant 16 : index
        %swap3A_280 = tpu.vector_load %arg14[%swap3A_278, %swap3A_279] {strides = array<i32>} : memref<64x128xf32, #tpu.memory_space<vmem>>, vector<1x16xf32>,
        %swap3A_281 = vector.shape_cast %swap3A_280 : vector<1x16xf32> to vector<16xf32>
        %swap3A_282 = vector.shape_cast %mul3A_277 : vector<16xf32> to vector<1x16xf32>
        tpu.vector_store %arg14[%swap3A_278, %swap3A_279], %swap3A_282 {strides = array<i32>} : memref<64x128xf32, #tpu.memory_space<vmem>>, vector<1x16xf32>,
        %get3A_283 = arith.index_cast %scan3A_260 : i32 to index
        %get3A_284 = arith.constant 32 : index
        %get3A_285 = tpu.vector_load %arg14[%get3A_283, %get3A_284] {strides = array<i32>} : memref<64x128xf32, #tpu.memory_space<vmem>>, vector<1x16xf32>,
        %get3A_286 = vector.shape_cast %get3A_285 : vector<1x16xf32> to vector<16xf32>
        %mul3A_287 = arith.mulf %get3A_286, %get3A_263 : vector<16xf32>
        %swap3A_288 = arith.index_cast %scan3A_260 : i32 to index
        %swap3A_289 = arith.constant 32 : index
        %swap3A_290 = tpu.vector_load %arg14[%swap3A_288, %swap3A_289] {strides = array<i32>} : memref<64x128xf32, #tpu.memory_space<vmem>>, vector<1x16xf32>,
        %swap3A_291 = vector.shape_cast %swap3A_290 : vector<1x16xf32> to vector<16xf32>
        %swap3A_292 = vector.shape_cast %mul3A_287 : vector<16xf32> to vector<1x16xf32>
        tpu.vector_store %arg14[%swap3A_288, %swap3A_289], %swap3A_292 {strides = array<i32>} : memref<64x128xf32, #tpu.memory_space<vmem>>, vector<1x16xf32>,
        %get3A_293 = arith.index_cast %scan3A_260 : i32 to index
        %get3A_294 = arith.constant 48 : index
        %get3A_295 = tpu.vector_load %arg14[%get3A_293, %get3A_294] {strides = array<i32>} : memref<64x128xf32, #tpu.memory_space<vmem>>, vector<1x16xf32>,
        %get3A_296 = vector.shape_cast %get3A_295 : vector<1x16xf32> to vector<16xf32>
        %mul3A_297 = arith.mulf %get3A_296, %get3A_263 : vector<16xf32>
        %swap3A_298 = arith.index_cast %scan3A_260 : i32 to index
        %swap3A_299 = arith.constant 48 : index
        %swap3A_300 = tpu.vector_load %arg14[%swap3A_298, %swap3A_299] {strides = array<i32>} : memref<64x128xf32, #tpu.memory_space<vmem>>, vector<1x16xf32>,
        %swap3A_301 = vector.shape_cast %swap3A_300 : vector<1x16xf32> to vector<16xf32>
        %swap3A_302 = vector.shape_cast %mul3A_297 : vector<16xf32> to vector<1x16xf32>
        tpu.vector_store %arg14[%swap3A_298, %swap3A_299], %swap3A_302 {strides = array<i32>} : memref<64x128xf32, #tpu.memory_space<vmem>>, vector<1x16xf32>,
        %get3A_303 = arith.index_cast %scan3A_260 : i32 to index
        %get3A_304 = arith.constant 64 : index
        %get3A_305 = tpu.vector_load %arg14[%get3A_303, %get3A_304] {strides = array<i32>} : memref<64x128xf32, #tpu.memory_space<vmem>>, vector<1x16xf32>,
        %get3A_306 = vector.shape_cast %get3A_305 : vector<1x16xf32> to vector<16xf32>
        %mul3A_307 = arith.mulf %get3A_306, %get3A_263 : vector<16xf32>
        %swap3A_308 = arith.index_cast %scan3A_260 : i32 to index
        %swap3A_309 = arith.constant 64 : index
        %swap3A_310 = tpu.vector_load %arg14[%swap3A_308, %swap3A_309] {strides = array<i32>} : memref<64x128xf32, #tpu.memory_space<vmem>>, vector<1x16xf32>,
        %swap3A_311 = vector.shape_cast %swap3A_310 : vector<1x16xf32> to vector<16xf32>
        %swap3A_312 = vector.shape_cast %mul3A_307 : vector<16xf32> to vector<1x16xf32>
        tpu.vector_store %arg14[%swap3A_308, %swap3A_309], %swap3A_312 {strides = array<i32>} : memref<64x128xf32, #tpu.memory_space<vmem>>, vector<1x16xf32>,
        %get3A_313 = arith.index_cast %scan3A_260 : i32 to index
        %get3A_314 = arith.constant 80 : index
        %get3A_315 = tpu.vector_load %arg14[%get3A_313, %get3A_314] {strides = array<i32>} : memref<64x128xf32, #tpu.memory_space<vmem>>, vector<1x16xf32>,
        %get3A_316 = vector.shape_cast %get3A_315 : vector<1x16xf32> to vector<16xf32>
        %mul3A_317 = arith.mulf %get3A_316, %get3A_263 : vector<16xf32>
        %swap3A_318 = arith.index_cast %scan3A_260 : i32 to index
        %swap3A_319 = arith.constant 80 : index
        %swap3A_320 = tpu.vector_load %arg14[%swap3A_318, %swap3A_319] {strides = array<i32>} : memref<64x128xf32, #tpu.memory_space<vmem>>, vector<1x16xf32>,
        %swap3A_321 = vector.shape_cast %swap3A_320 : vector<1x16xf32> to vector<16xf32>
        %swap3A_322 = vector.shape_cast %mul3A_317 : vector<16xf32> to vector<1x16xf32>
        tpu.vector_store %arg14[%swap3A_318, %swap3A_319], %swap3A_322 {strides = array<i32>} : memref<64x128xf32, #tpu.memory_space<vmem>>, vector<1x16xf32>,
        %get3A_323 = arith.index_cast %scan3A_260 : i32 to index
        %get3A_324 = arith.constant 96 : index
        %get3A_325 = tpu.vector_load %arg14[%get3A_323, %get3A_324] {strides = array<i32>} : memref<64x128xf32, #tpu.memory_space<vmem>>, vector<1x16xf32>,
        %get3A_326 = vector.shape_cast %get3A_325 : vector<1x16xf32> to vector<16xf32>
        %mul3A_327 = arith.mulf %get3A_326, %get3A_263 : vector<16xf32>
        %swap3A_328 = arith.index_cast %scan3A_260 : i32 to index
        %swap3A_329 = arith.constant 96 : index
        %swap3A_330 = tpu.vector_load %arg14[%swap3A_328, %swap3A_329] {strides = array<i32>} : memref<64x128xf32, #tpu.memory_space<vmem>>, vector<1x16xf32>,
        %swap3A_331 = vector.shape_cast %swap3A_330 : vector<1x16xf32> to vector<16xf32>
        %swap3A_332 = vector.shape_cast %mul3A_327 : vector<16xf32> to vector<1x16xf32>
        tpu.vector_store %arg14[%swap3A_328, %swap3A_329], %swap3A_332 {strides = array<i32>} : memref<64x128xf32, #tpu.memory_space<vmem>>, vector<1x16xf32>,
        %get3A_333 = arith.index_cast %scan3A_260 : i32 to index
        %get3A_334 = arith.constant 112 : index
        %get3A_335 = tpu.vector_load %arg14[%get3A_333, %get3A_334] {strides = array<i32>} : memref<64x128xf32, #tpu.memory_space<vmem>>, vector<1x16xf32>,
        %get3A_336 = vector.shape_cast %get3A_335 : vector<1x16xf32> to vector<16xf32>
        %mul3A_337 = arith.mulf %get3A_336, %get3A_263 : vector<16xf32>
        %swap3A_338 = arith.index_cast %scan3A_260 : i32 to index
        %swap3A_339 = arith.constant 112 : index
        %swap3A_340 = tpu.vector_load %arg14[%swap3A_338, %swap3A_339] {strides = array<i32>} : memref<64x128xf32, #tpu.memory_space<vmem>>, vector<1x16xf32>,
        %swap3A_341 = vector.shape_cast %swap3A_340 : vector<1x16xf32> to vector<16xf32>
        %swap3A_342 = vector.shape_cast %mul3A_337 : vector<16xf32> to vector<1x16xf32>
        tpu.vector_store %arg14[%swap3A_338, %swap3A_339], %swap3A_342 {strides = array<i32>} : memref<64x128xf32, #tpu.memory_space<vmem>>, vector<1x16xf32>,
      }
      %scan3A_229 = arith.constant 64 : i32
      %dma_start3A_230 = arith.constant 0 : i32
      %dma_start3A_231 = arith.constant 0 : i32
      %dma_start3A_232 = tpu.memref_slice %arg7[%dma_start3A_230, %dma_start3A_231] : memref<10112x128xf32, #tpu.memory_space<vmem_shared>> -> memref<10112x128xf32, #tpu.memory_space<vmem_shared>>
      tpu.enqueue_indirect_dma source(%arg14 : memref<64x128xf32, #tpu.memory_space<vmem>>) target(%dma_start3A_232 : memref<10112x128xf32, #tpu.memory_space<vmem_shared>>) offsets(%arg12 : memref<64xi32, #tpu.memory_space<vmem>>) semaphore(%arg20 : memref<!tpu.dma_semaphore, #tpu.memory_space<semaphore_mem>>) {add = true}
      %convert_element_type3A = arith.extui %lt3A_212 : i1 to i32
      %cond3A = arith.constant 0 : i32
      %cond3A_233 = arith.cmpi ne, %convert_element_type3A, %cond3A : i32
      scf.if %cond3A_233 {
        %add3A_260 = arith.constant 2 : i32
        %add3A_261 = arith.addi %add3A_216, %add3A_260 : i32
        %mul3A_262 = arith.constant 64 : i32
        %mul3A_263 = arith.muli %add3A_261, %mul3A_262 : i32
        %add3A_264 = arith.addi %mul3A_2, %mul3A_263 : i32
        %dma_start3A_265 = tpu.memref_slice %arg3[%add3A_264] : memref<323584xi32, #tpu.memory_space<hbm>> -> memref<64xi32, #tpu.memory_space<hbm>>
        %dma_start3A_266 = tpu.memref_slice %arg3[%add3A_264] : memref<323584xi32, #tpu.memory_space<hbm>> -> memref<64xi32, #tpu.memory_space<hbm>>
        tpu.enqueue_dma source(%dma_start3A_266 : memref<64xi32, #tpu.memory_space<hbm>>) target(%arg8 : memref<64xi32, #tpu.memory_space<vmem>>) target_semaphore(%arg18 : memref<!tpu.dma_semaphore, #tpu.memory_space<semaphore_mem>>)
        %mul3A_267 = arith.constant 64 : i32
        %mul3A_268 = arith.muli %add3A_261, %mul3A_267 : i32
        %add3A_269 = arith.addi %mul3A_2, %mul3A_268 : i32
        %dma_start3A_270 = arith.constant 0 : i32
        %dma_start3A_271 = tpu.memref_slice %arg4[%add3A_269, %dma_start3A_270] : memref<323584x16xf32, #tpu.memory_space<hbm>> -> memref<64x16xf32, #tpu.memory_space<hbm>>
        %dma_start3A_272 = arith.constant 0 : i32
        %dma_start3A_273 = tpu.memref_slice %arg4[%add3A_269, %dma_start3A_272] : memref<323584x16xf32, #tpu.memory_space<hbm>> -> memref<64x16xf32, #tpu.memory_space<hbm>>
        tpu.enqueue_dma source(%dma_start3A_273 : memref<64x16xf32, #tpu.memory_space<hbm>>) target(%arg10 : memref<64x16xf32, #tpu.memory_space<vmem>>) target_semaphore(%arg18 : memref<!tpu.dma_semaphore, #tpu.memory_space<semaphore_mem>>)
      } else {
      }
      %mul3A_234 = arith.constant 2 : i32
      %mul3A_235 = arith.muli %scan3A_209, %mul3A_234 : i32
      %add3A_236 = arith.constant 1 : i32
      %add3A_237 = arith.addi %mul3A_235, %add3A_236 : i32
      %dma_wait3A_238 = arith.constant 0 : i32
      %dma_wait3A_239 = arith.constant 0 : i32
      %dma_wait3A_240 = tpu.memref_slice %arg2[%dma_wait3A_238, %dma_wait3A_239] : memref<10000x128xf32, #tpu.memory_space<hbm>> -> memref<10000x128xf32, #tpu.memory_space<hbm>>
      tpu.wait_indirect_dma semaphore(%arg17 : memref<!tpu.dma_semaphore, #tpu.memory_space<semaphore_mem>>) src(%dma_wait3A_240 : memref<10000x128xf32, #tpu.memory_space<hbm>>) dst(%arg15 : memref<64x128xf32, #tpu.memory_space<vmem>>)
      %dma_wait3A_241 = arith.constant 0 : i32
      %dma_wait3A_242 = tpu.memref_slice %arg5[%dma_wait3A_241] : memref<323584xi32, #tpu.memory_space<hbm>> -> memref<64xi32, #tpu.memory_space<hbm>>
      %dma_wait3A_243 = arith.constant 0 : i32
      %dma_wait3A_244 = tpu.memref_slice %arg5[%dma_wait3A_243] : memref<323584xi32, #tpu.memory_space<hbm>> -> memref<64xi32, #tpu.memory_space<hbm>>
      tpu.wait_dma2 semaphore(%arg19 : memref<!tpu.dma_semaphore, #tpu.memory_space<semaphore_mem>>) src(%dma_wait3A_244 : memref<64xi32, #tpu.memory_space<hbm>>) dst(%arg13 : memref<64xi32, #tpu.memory_space<vmem>>)
      %scan3A_245 = arith.constant 0 : i32
      %scan3A_246 = arith.constant 0 : i32
      %scan3A_247 = arith.constant 64 : i32
      %scan3A_248 = arith.addi %scan3A_246, %scan3A_247 : i32
      %scan3A_249 = arith.constant 1 : i32
      scf.for %scan3A_260 = %scan3A_246 to %scan3A_248 step %scan3A_249  : i32 {
        %get3A = arith.index_cast %scan3A_260 : i32 to index
        %get3A_261 = arith.constant 0 : index
        %get3A_262 = tpu.vector_load %arg11[%get3A, %get3A_261] {strides = array<i32>} : memref<64x16xf32, #tpu.memory_space<vmem>>, vector<1x16xf32>,
        %get3A_263 = vector.shape_cast %get3A_262 : vector<1x16xf32> to vector<16xf32>
        %get3A_264 = arith.index_cast %scan3A_260 : i32 to index
        %get3A_265 = arith.constant 0 : index
        %get3A_266 = tpu.vector_load %arg15[%get3A_264, %get3A_265] {strides = array<i32>} : memref<64x128xf32, #tpu.memory_space<vmem>>, vector<1x16xf32>,
        %get3A_267 = vector.shape_cast %get3A_266 : vector<1x16xf32> to vector<16xf32>
        %mul3A_268 = arith.mulf %get3A_267, %get3A_263 : vector<16xf32>
        %swap3A = arith.index_cast %scan3A_260 : i32 to index
        %swap3A_269 = arith.constant 0 : index
        %swap3A_270 = tpu.vector_load %arg15[%swap3A, %swap3A_269] {strides = array<i32>} : memref<64x128xf32, #tpu.memory_space<vmem>>, vector<1x16xf32>,
        %swap3A_271 = vector.shape_cast %swap3A_270 : vector<1x16xf32> to vector<16xf32>
        %swap3A_272 = vector.shape_cast %mul3A_268 : vector<16xf32> to vector<1x16xf32>
        tpu.vector_store %arg15[%swap3A, %swap3A_269], %swap3A_272 {strides = array<i32>} : memref<64x128xf32, #tpu.memory_space<vmem>>, vector<1x16xf32>,
        %get3A_273 = arith.index_cast %scan3A_260 : i32 to index
        %get3A_274 = arith.constant 16 : index
        %get3A_275 = tpu.vector_load %arg15[%get3A_273, %get3A_274] {strides = array<i32>} : memref<64x128xf32, #tpu.memory_space<vmem>>, vector<1x16xf32>,
        %get3A_276 = vector.shape_cast %get3A_275 : vector<1x16xf32> to vector<16xf32>
        %mul3A_277 = arith.mulf %get3A_276, %get3A_263 : vector<16xf32>
        %swap3A_278 = arith.index_cast %scan3A_260 : i32 to index
        %swap3A_279 = arith.constant 16 : index
        %swap3A_280 = tpu.vector_load %arg15[%swap3A_278, %swap3A_279] {strides = array<i32>} : memref<64x128xf32, #tpu.memory_space<vmem>>, vector<1x16xf32>,
        %swap3A_281 = vector.shape_cast %swap3A_280 : vector<1x16xf32> to vector<16xf32>
        %swap3A_282 = vector.shape_cast %mul3A_277 : vector<16xf32> to vector<1x16xf32>
        tpu.vector_store %arg15[%swap3A_278, %swap3A_279], %swap3A_282 {strides = array<i32>} : memref<64x128xf32, #tpu.memory_space<vmem>>, vector<1x16xf32>,
        %get3A_283 = arith.index_cast %scan3A_260 : i32 to index
        %get3A_284 = arith.constant 32 : index
        %get3A_285 = tpu.vector_load %arg15[%get3A_283, %get3A_284] {strides = array<i32>} : memref<64x128xf32, #tpu.memory_space<vmem>>, vector<1x16xf32>,
        %get3A_286 = vector.shape_cast %get3A_285 : vector<1x16xf32> to vector<16xf32>
        %mul3A_287 = arith.mulf %get3A_286, %get3A_263 : vector<16xf32>
        %swap3A_288 = arith.index_cast %scan3A_260 : i32 to index
        %swap3A_289 = arith.constant 32 : index
        %swap3A_290 = tpu.vector_load %arg15[%swap3A_288, %swap3A_289] {strides = array<i32>} : memref<64x128xf32, #tpu.memory_space<vmem>>, vector<1x16xf32>,
        %swap3A_291 = vector.shape_cast %swap3A_290 : vector<1x16xf32> to vector<16xf32>
        %swap3A_292 = vector.shape_cast %mul3A_287 : vector<16xf32> to vector<1x16xf32>
        tpu.vector_store %arg15[%swap3A_288, %swap3A_289], %swap3A_292 {strides = array<i32>} : memref<64x128xf32, #tpu.memory_space<vmem>>, vector<1x16xf32>,
        %get3A_293 = arith.index_cast %scan3A_260 : i32 to index
        %get3A_294 = arith.constant 48 : index
        %get3A_295 = tpu.vector_load %arg15[%get3A_293, %get3A_294] {strides = array<i32>} : memref<64x128xf32, #tpu.memory_space<vmem>>, vector<1x16xf32>,
        %get3A_296 = vector.shape_cast %get3A_295 : vector<1x16xf32> to vector<16xf32>
        %mul3A_297 = arith.mulf %get3A_296, %get3A_263 : vector<16xf32>
        %swap3A_298 = arith.index_cast %scan3A_260 : i32 to index
        %swap3A_299 = arith.constant 48 : index
        %swap3A_300 = tpu.vector_load %arg15[%swap3A_298, %swap3A_299] {strides = array<i32>} : memref<64x128xf32, #tpu.memory_space<vmem>>, vector<1x16xf32>,
        %swap3A_301 = vector.shape_cast %swap3A_300 : vector<1x16xf32> to vector<16xf32>
        %swap3A_302 = vector.shape_cast %mul3A_297 : vector<16xf32> to vector<1x16xf32>
        tpu.vector_store %arg15[%swap3A_298, %swap3A_299], %swap3A_302 {strides = array<i32>} : memref<64x128xf32, #tpu.memory_space<vmem>>, vector<1x16xf32>,
        %get3A_303 = arith.index_cast %scan3A_260 : i32 to index
        %get3A_304 = arith.constant 64 : index
        %get3A_305 = tpu.vector_load %arg15[%get3A_303, %get3A_304] {strides = array<i32>} : memref<64x128xf32, #tpu.memory_space<vmem>>, vector<1x16xf32>,
        %get3A_306 = vector.shape_cast %get3A_305 : vector<1x16xf32> to vector<16xf32>
        %mul3A_307 = arith.mulf %get3A_306, %get3A_263 : vector<16xf32>
        %swap3A_308 = arith.index_cast %scan3A_260 : i32 to index
        %swap3A_309 = arith.constant 64 : index
        %swap3A_310 = tpu.vector_load %arg15[%swap3A_308, %swap3A_309] {strides = array<i32>} : memref<64x128xf32, #tpu.memory_space<vmem>>, vector<1x16xf32>,
        %swap3A_311 = vector.shape_cast %swap3A_310 : vector<1x16xf32> to vector<16xf32>
        %swap3A_312 = vector.shape_cast %mul3A_307 : vector<16xf32> to vector<1x16xf32>
        tpu.vector_store %arg15[%swap3A_308, %swap3A_309], %swap3A_312 {strides = array<i32>} : memref<64x128xf32, #tpu.memory_space<vmem>>, vector<1x16xf32>,
        %get3A_313 = arith.index_cast %scan3A_260 : i32 to index
        %get3A_314 = arith.constant 80 : index
        %get3A_315 = tpu.vector_load %arg15[%get3A_313, %get3A_314] {strides = array<i32>} : memref<64x128xf32, #tpu.memory_space<vmem>>, vector<1x16xf32>,
        %get3A_316 = vector.shape_cast %get3A_315 : vector<1x16xf32> to vector<16xf32>
        %mul3A_317 = arith.mulf %get3A_316, %get3A_263 : vector<16xf32>
        %swap3A_318 = arith.index_cast %scan3A_260 : i32 to index
        %swap3A_319 = arith.constant 80 : index
        %swap3A_320 = tpu.vector_load %arg15[%swap3A_318, %swap3A_319] {strides = array<i32>} : memref<64x128xf32, #tpu.memory_space<vmem>>, vector<1x16xf32>,
        %swap3A_321 = vector.shape_cast %swap3A_320 : vector<1x16xf32> to vector<16xf32>
        %swap3A_322 = vector.shape_cast %mul3A_317 : vector<16xf32> to vector<1x16xf32>
        tpu.vector_store %arg15[%swap3A_318, %swap3A_319], %swap3A_322 {strides = array<i32>} : memref<64x128xf32, #tpu.memory_space<vmem>>, vector<1x16xf32>,
        %get3A_323 = arith.index_cast %scan3A_260 : i32 to index
        %get3A_324 = arith.constant 96 : index
        %get3A_325 = tpu.vector_load %arg15[%get3A_323, %get3A_324] {strides = array<i32>} : memref<64x128xf32, #tpu.memory_space<vmem>>, vector<1x16xf32>,
        %get3A_326 = vector.shape_cast %get3A_325 : vector<1x16xf32> to vector<16xf32>
        %mul3A_327 = arith.mulf %get3A_326, %get3A_263 : vector<16xf32>
        %swap3A_328 = arith.index_cast %scan3A_260 : i32 to index
        %swap3A_329 = arith.constant 96 : index
        %swap3A_330 = tpu.vector_load %arg15[%swap3A_328, %swap3A_329] {strides = array<i32>} : memref<64x128xf32, #tpu.memory_space<vmem>>, vector<1x16xf32>,
        %swap3A_331 = vector.shape_cast %swap3A_330 : vector<1x16xf32> to vector<16xf32>
        %swap3A_332 = vector.shape_cast %mul3A_327 : vector<16xf32> to vector<1x16xf32>
        tpu.vector_store %arg15[%swap3A_328, %swap3A_329], %swap3A_332 {strides = array<i32>} : memref<64x128xf32, #tpu.memory_space<vmem>>, vector<1x16xf32>,
        %get3A_333 = arith.index_cast %scan3A_260 : i32 to index
        %get3A_334 = arith.constant 112 : index
        %get3A_335 = tpu.vector_load %arg15[%get3A_333, %get3A_334] {strides = array<i32>} : memref<64x128xf32, #tpu.memory_space<vmem>>, vector<1x16xf32>,
        %get3A_336 = vector.shape_cast %get3A_335 : vector<1x16xf32> to vector<16xf32>
        %mul3A_337 = arith.mulf %get3A_336, %get3A_263 : vector<16xf32>
        %swap3A_338 = arith.index_cast %scan3A_260 : i32 to index
        %swap3A_339 = arith.constant 112 : index
        %swap3A_340 = tpu.vector_load %arg15[%swap3A_338, %swap3A_339] {strides = array<i32>} : memref<64x128xf32, #tpu.memory_space<vmem>>, vector<1x16xf32>,
        %swap3A_341 = vector.shape_cast %swap3A_340 : vector<1x16xf32> to vector<16xf32>
        %swap3A_342 = vector.shape_cast %mul3A_337 : vector<16xf32> to vector<1x16xf32>
        tpu.vector_store %arg15[%swap3A_338, %swap3A_339], %swap3A_342 {strides = array<i32>} : memref<64x128xf32, #tpu.memory_space<vmem>>, vector<1x16xf32>,
      }
      %scan3A_250 = arith.constant 64 : i32
      %dma_start3A_251 = arith.constant 0 : i32
      %dma_start3A_252 = arith.constant 0 : i32
      %dma_start3A_253 = tpu.memref_slice %arg7[%dma_start3A_251, %dma_start3A_252] : memref<10112x128xf32, #tpu.memory_space<vmem_shared>> -> memref<10112x128xf32, #tpu.memory_space<vmem_shared>>
      tpu.enqueue_indirect_dma source(%arg15 : memref<64x128xf32, #tpu.memory_space<vmem>>) target(%dma_start3A_253 : memref<10112x128xf32, #tpu.memory_space<vmem_shared>>) offsets(%arg13 : memref<64xi32, #tpu.memory_space<vmem>>) semaphore(%arg21 : memref<!tpu.dma_semaphore, #tpu.memory_space<semaphore_mem>>) {add = true}
      %convert_element_type3A_254 = arith.extui %lt3A_212 : i1 to i32
      %cond3A_255 = arith.constant 0 : i32
      %cond3A_256 = arith.cmpi ne, %convert_element_type3A_254, %cond3A_255 : i32
      scf.if %cond3A_256 {
        %add3A_260 = arith.constant 2 : i32
        %add3A_261 = arith.addi %add3A_237, %add3A_260 : i32
        %mul3A_262 = arith.constant 64 : i32
        %mul3A_263 = arith.muli %add3A_261, %mul3A_262 : i32
        %add3A_264 = arith.addi %mul3A_2, %mul3A_263 : i32
        %dma_start3A_265 = tpu.memref_slice %arg3[%add3A_264] : memref<323584xi32, #tpu.memory_space<hbm>> -> memref<64xi32, #tpu.memory_space<hbm>>
        %dma_start3A_266 = tpu.memref_slice %arg3[%add3A_264] : memref<323584xi32, #tpu.memory_space<hbm>> -> memref<64xi32, #tpu.memory_space<hbm>>
        tpu.enqueue_dma source(%dma_start3A_266 : memref<64xi32, #tpu.memory_space<hbm>>) target(%arg9 : memref<64xi32, #tpu.memory_space<vmem>>) target_semaphore(%arg19 : memref<!tpu.dma_semaphore, #tpu.memory_space<semaphore_mem>>)
        %mul3A_267 = arith.constant 64 : i32
        %mul3A_268 = arith.muli %add3A_261, %mul3A_267 : i32
        %add3A_269 = arith.addi %mul3A_2, %mul3A_268 : i32
        %dma_start3A_270 = arith.constant 0 : i32
        %dma_start3A_271 = tpu.memref_slice %arg4[%add3A_269, %dma_start3A_270] : memref<323584x16xf32, #tpu.memory_space<hbm>> -> memref<64x16xf32, #tpu.memory_space<hbm>>
        %dma_start3A_272 = arith.constant 0 : i32
        %dma_start3A_273 = tpu.memref_slice %arg4[%add3A_269, %dma_start3A_272] : memref<323584x16xf32, #tpu.memory_space<hbm>> -> memref<64x16xf32, #tpu.memory_space<hbm>>
        tpu.enqueue_dma source(%dma_start3A_273 : memref<64x16xf32, #tpu.memory_space<hbm>>) target(%arg11 : memref<64x16xf32, #tpu.memory_space<vmem>>) target_semaphore(%arg19 : memref<!tpu.dma_semaphore, #tpu.memory_space<semaphore_mem>>)
      } else {
      }
      %convert_element_type3A_257 = arith.extui %lt3A_212 : i1 to i32
      %cond3A_258 = arith.constant 0 : i32
      %cond3A_259 = arith.cmpi ne, %convert_element_type3A_257, %cond3A_258 : i32
      scf.if %cond3A_259 {
        %mul3A_260 = arith.constant 2 : i32
        %mul3A_261 = arith.muli %scan3A_209, %mul3A_260 : i32
        %add3A_262 = arith.constant 0 : i32
        %add3A_263 = arith.addi %mul3A_261, %add3A_262 : i32
        %dma_wait3A_264 = arith.constant 0 : i32
        %dma_wait3A_265 = tpu.memref_slice %arg3[%dma_wait3A_264] : memref<323584xi32, #tpu.memory_space<hbm>> -> memref<64xi32, #tpu.memory_space<hbm>>
        %dma_wait3A_266 = arith.constant 0 : i32
        %dma_wait3A_267 = tpu.memref_slice %arg3[%dma_wait3A_266] : memref<323584xi32, #tpu.memory_space<hbm>> -> memref<64xi32, #tpu.memory_space<hbm>>
        tpu.wait_dma2 semaphore(%arg18 : memref<!tpu.dma_semaphore, #tpu.memory_space<semaphore_mem>>) src(%dma_wait3A_267 : memref<64xi32, #tpu.memory_space<hbm>>) dst(%arg8 : memref<64xi32, #tpu.memory_space<vmem>>)
        %dma_wait3A_268 = arith.constant 0 : i32
        %dma_wait3A_269 = arith.constant 0 : i32
        %dma_wait3A_270 = tpu.memref_slice %arg4[%dma_wait3A_268, %dma_wait3A_269] : memref<323584x16xf32, #tpu.memory_space<hbm>> -> memref<64x16xf32, #tpu.memory_space<hbm>>
        %dma_wait3A_271 = arith.constant 0 : i32
        %dma_wait3A_272 = arith.constant 0 : i32
        %dma_wait3A_273 = tpu.memref_slice %arg4[%dma_wait3A_271, %dma_wait3A_272] : memref<323584x16xf32, #tpu.memory_space<hbm>> -> memref<64x16xf32, #tpu.memory_space<hbm>>
        tpu.wait_dma2 semaphore(%arg18 : memref<!tpu.dma_semaphore, #tpu.memory_space<semaphore_mem>>) src(%dma_wait3A_273 : memref<64x16xf32, #tpu.memory_space<hbm>>) dst(%arg10 : memref<64x16xf32, #tpu.memory_space<vmem>>)
        %dma_wait3A_274 = arith.constant 0 : i32
        %dma_wait3A_275 = arith.constant 0 : i32
        %dma_wait3A_276 = tpu.memref_slice %arg7[%dma_wait3A_274, %dma_wait3A_275] : memref<10112x128xf32, #tpu.memory_space<vmem_shared>> -> memref<10112x128xf32, #tpu.memory_space<vmem_shared>>
        tpu.wait_indirect_dma semaphore(%arg20 : memref<!tpu.dma_semaphore, #tpu.memory_space<semaphore_mem>>) src(%arg14 : memref<64x128xf32, #tpu.memory_space<vmem>>) dst(%dma_wait3A_276 : memref<10112x128xf32, #tpu.memory_space<vmem_shared>>)
        %add3A_277 = arith.constant 2 : i32
        %add3A_278 = arith.addi %add3A_263, %add3A_277 : i32
        %dma_start3A_279 = arith.constant 0 : i32
        %dma_start3A_280 = arith.constant 0 : i32
        %dma_start3A_281 = tpu.memref_slice %arg2[%dma_start3A_279, %dma_start3A_280] : memref<10000x128xf32, #tpu.memory_space<hbm>> -> memref<10000x128xf32, #tpu.memory_space<hbm>>
        tpu.enqueue_indirect_dma source(%dma_start3A_281 : memref<10000x128xf32, #tpu.memory_space<hbm>>) target(%arg14 : memref<64x128xf32, #tpu.memory_space<vmem>>) offsets(%arg8 : memref<64xi32, #tpu.memory_space<vmem>>) semaphore(%arg16 : memref<!tpu.dma_semaphore, #tpu.memory_space<semaphore_mem>>)
        %mul3A_282 = arith.constant 64 : i32
        %mul3A_283 = arith.muli %add3A_278, %mul3A_282 : i32
        %add3A_284 = arith.addi %mul3A_2, %mul3A_283 : i32
        %dma_start3A_285 = tpu.memref_slice %arg5[%add3A_284] : memref<323584xi32, #tpu.memory_space<hbm>> -> memref<64xi32, #tpu.memory_space<hbm>>
        %dma_start3A_286 = tpu.memref_slice %arg5[%add3A_284] : memref<323584xi32, #tpu.memory_space<hbm>> -> memref<64xi32, #tpu.memory_space<hbm>>
        tpu.enqueue_dma source(%dma_start3A_286 : memref<64xi32, #tpu.memory_space<hbm>>) target(%arg12 : memref<64xi32, #tpu.memory_space<vmem>>) target_semaphore(%arg18 : memref<!tpu.dma_semaphore, #tpu.memory_space<semaphore_mem>>)
        %mul3A_287 = arith.constant 2 : i32
        %mul3A_288 = arith.muli %scan3A_209, %mul3A_287 : i32
        %add3A_289 = arith.constant 1 : i32
        %add3A_290 = arith.addi %mul3A_288, %add3A_289 : i32
        %dma_wait3A_291 = arith.constant 0 : i32
        %dma_wait3A_292 = tpu.memref_slice %arg3[%dma_wait3A_291] : memref<323584xi32, #tpu.memory_space<hbm>> -> memref<64xi32, #tpu.memory_space<hbm>>
        %dma_wait3A_293 = arith.constant 0 : i32
        %dma_wait3A_294 = tpu.memref_slice %arg3[%dma_wait3A_293] : memref<323584xi32, #tpu.memory_space<hbm>> -> memref<64xi32, #tpu.memory_space<hbm>>
        tpu.wait_dma2 semaphore(%arg19 : memref<!tpu.dma_semaphore, #tpu.memory_space<semaphore_mem>>) src(%dma_wait3A_294 : memref<64xi32, #tpu.memory_space<hbm>>) dst(%arg9 : memref<64xi32, #tpu.memory_space<vmem>>)
        %dma_wait3A_295 = arith.constant 0 : i32
        %dma_wait3A_296 = arith.constant 0 : i32
        %dma_wait3A_297 = tpu.memref_slice %arg4[%dma_wait3A_295, %dma_wait3A_296] : memref<323584x16xf32, #tpu.memory_space<hbm>> -> memref<64x16xf32, #tpu.memory_space<hbm>>
        %dma_wait3A_298 = arith.constant 0 : i32
        %dma_wait3A_299 = arith.constant 0 : i32
        %dma_wait3A_300 = tpu.memref_slice %arg4[%dma_wait3A_298, %dma_wait3A_299] : memref<323584x16xf32, #tpu.memory_space<hbm>> -> memref<64x16xf32, #tpu.memory_space<hbm>>
        tpu.wait_dma2 semaphore(%arg19 : memref<!tpu.dma_semaphore, #tpu.memory_space<semaphore_mem>>) src(%dma_wait3A_300 : memref<64x16xf32, #tpu.memory_space<hbm>>) dst(%arg11 : memref<64x16xf32, #tpu.memory_space<vmem>>)
        %dma_wait3A_301 = arith.constant 0 : i32
        %dma_wait3A_302 = arith.constant 0 : i32
        %dma_wait3A_303 = tpu.memref_slice %arg7[%dma_wait3A_301, %dma_wait3A_302] : memref<10112x128xf32, #tpu.memory_space<vmem_shared>> -> memref<10112x128xf32, #tpu.memory_space<vmem_shared>>
        tpu.wait_indirect_dma semaphore(%arg21 : memref<!tpu.dma_semaphore, #tpu.memory_space<semaphore_mem>>) src(%arg15 : memref<64x128xf32, #tpu.memory_space<vmem>>) dst(%dma_wait3A_303 : memref<10112x128xf32, #tpu.memory_space<vmem_shared>>)
        %add3A_304 = arith.constant 2 : i32
        %add3A_305 = arith.addi %add3A_290, %add3A_304 : i32
        %dma_start3A_306 = arith.constant 0 : i32
        %dma_start3A_307 = arith.constant 0 : i32
        %dma_start3A_308 = tpu.memref_slice %arg2[%dma_start3A_306, %dma_start3A_307] : memref<10000x128xf32, #tpu.memory_space<hbm>> -> memref<10000x128xf32, #tpu.memory_space<hbm>>
        tpu.enqueue_indirect_dma source(%dma_start3A_308 : memref<10000x128xf32, #tpu.memory_space<hbm>>) target(%arg15 : memref<64x128xf32, #tpu.memory_space<vmem>>) offsets(%arg9 : memref<64xi32, #tpu.memory_space<vmem>>) semaphore(%arg17 : memref<!tpu.dma_semaphore, #tpu.memory_space<semaphore_mem>>)
        %mul3A_309 = arith.constant 64 : i32
        %mul3A_310 = arith.muli %add3A_305, %mul3A_309 : i32
        %add3A_311 = arith.addi %mul3A_2, %mul3A_310 : i32
        %dma_start3A_312 = tpu.memref_slice %arg5[%add3A_311] : memref<323584xi32, #tpu.memory_space<hbm>> -> memref<64xi32, #tpu.memory_space<hbm>>
        %dma_start3A_313 = tpu.memref_slice %arg5[%add3A_311] : memref<323584xi32, #tpu.memory_space<hbm>> -> memref<64xi32, #tpu.memory_space<hbm>>
        tpu.enqueue_dma source(%dma_start3A_313 : memref<64xi32, #tpu.memory_space<hbm>>) target(%arg13 : memref<64xi32, #tpu.memory_space<vmem>>) target_semaphore(%arg19 : memref<!tpu.dma_semaphore, #tpu.memory_space<semaphore_mem>>)
      } else {
      }
    }
    %scan3A_197 = arith.constant 79 : i32
    %dma_wait3A_198 = arith.constant 0 : i32
    %dma_wait3A_199 = arith.constant 0 : i32
    %dma_wait3A_200 = tpu.memref_slice %arg7[%dma_wait3A_198, %dma_wait3A_199] : memref<10112x128xf32, #tpu.memory_space<vmem_shared>> -> memref<10112x128xf32, #tpu.memory_space<vmem_shared>>
    tpu.wait_indirect_dma semaphore(%arg20 : memref<!tpu.dma_semaphore, #tpu.memory_space<semaphore_mem>>) src(%arg14 : memref<64x128xf32, #tpu.memory_space<vmem>>) dst(%dma_wait3A_200 : memref<10112x128xf32, #tpu.memory_space<vmem_shared>>)
    %dma_wait3A_201 = arith.constant 0 : i32
    %dma_wait3A_202 = arith.constant 0 : i32
    %dma_wait3A_203 = tpu.memref_slice %arg7[%dma_wait3A_201, %dma_wait3A_202] : memref<10112x128xf32, #tpu.memory_space<vmem_shared>> -> memref<10112x128xf32, #tpu.memory_space<vmem_shared>>
    tpu.wait_indirect_dma semaphore(%arg21 : memref<!tpu.dma_semaphore, #tpu.memory_space<semaphore_mem>>) src(%arg15 : memref<64x128xf32, #tpu.memory_space<vmem>>) dst(%dma_wait3A_203 : memref<10112x128xf32, #tpu.memory_space<vmem_shared>>)
    %barrier3A_204 = arith.constant 0 : index
    tpu.barrier barrier_id(%barrier3A_204)
    %mul3A_205 = arith.constant 632 : i32
    %mul3A_206 = arith.muli %arg1, %mul3A_205 : i32
    %mul3A_207 = arith.constant 632 : i32
    %mul3A_208 = arith.muli %arg1, %mul3A_207 : i32
    "tpu.region"() ({
      %run_scoped3A = tpu.sem_alloc : memref<!tpu.dma_semaphore, #tpu.memory_space<semaphore_mem>>
      %dma_start3A_209 = arith.constant 0 : i32
      %dma_start3A_210 = tpu.memref_slice %arg6[%arg0, %mul3A_208, %dma_start3A_209] : memref<2x10112x128xf32, #tpu.memory_space<hbm>> -> memref<1x632x128xf32, #tpu.memory_space<hbm>>
      %dma_start3A_211 = tpu.memref_squeeze %dma_start3A_210 : memref<1x632x128xf32, #tpu.memory_space<hbm>> -> memref<632x128xf32, #tpu.memory_space<hbm>>
      %dma_start3A_212 = arith.constant 0 : i32
      %dma_start3A_213 = tpu.memref_slice %arg7[%mul3A_206, %dma_start3A_212] : memref<10112x128xf32, #tpu.memory_space<vmem_shared>> -> memref<632x128xf32, #tpu.memory_space<vmem_shared>>
      tpu.enqueue_dma source(%dma_start3A_213 : memref<632x128xf32, #tpu.memory_space<vmem_shared>>) target(%dma_start3A_211 : memref<632x128xf32, #tpu.memory_space<hbm>>) target_semaphore(%run_scoped3A : memref<!tpu.dma_semaphore, #tpu.memory_space<semaphore_mem>>)
      %dma_wait3A_214 = arith.constant 0 : i32
      %dma_wait3A_215 = tpu.memref_slice %arg6[%arg0, %mul3A_208, %dma_wait3A_214] : memref<2x10112x128xf32, #tpu.memory_space<hbm>> -> memref<1x632x128xf32, #tpu.memory_space<hbm>>
      %dma_wait3A_216 = tpu.memref_squeeze %dma_wait3A_215 : memref<1x632x128xf32, #tpu.memory_space<hbm>> -> memref<632x128xf32, #tpu.memory_space<hbm>>
      %dma_wait3A_217 = arith.constant 0 : i32
      %dma_wait3A_218 = tpu.memref_slice %arg7[%mul3A_206, %dma_wait3A_217] : memref<10112x128xf32, #tpu.memory_space<vmem_shared>> -> memref<632x128xf32, #tpu.memory_space<vmem_shared>>
      tpu.wait_dma2 semaphore(%run_scoped3A : memref<!tpu.dma_semaphore, #tpu.memory_space<semaphore_mem>>) src(%dma_wait3A_218 : memref<632x128xf32, #tpu.memory_space<vmem_shared>>) dst(%dma_wait3A_216 : memref<632x128xf32, #tpu.memory_space<hbm>>)
      tpu.yield
    }) : () -> ()
    return
  }
}

module attributes {stable_mosaic.version = 14 : i64} {
  func.func @body(%arg0: i32, %arg1: memref<2x1000x128xf32, #tpu.memory_space<vmem>>, %arg2: memref<128x128xf32, #tpu.memory_space<vmem>>, %arg3: memref<1x128xf32, #tpu.memory_space<vmem>>, %arg4: memref<1000x128xf32, #tpu.memory_space<vmem>>) attributes {dimension_semantics = [#tpu.dimension_semantics<arbitrary>], iteration_bounds = array<i64: 10>, scalar_prefetch = 0 : i64, scratch_operands = 0 : i64, tpu.core_type = #tpu.core_type<tc>, window_params = [{transform_indices = @transform_0, window_bounds = array<i64: 2, 1000, 128>}, {pipeline_mode = #tpu.pipeline_mode<synchronous>, transform_indices = @transform_1, window_bounds = array<i64: 128, 128>}, {pipeline_mode = #tpu.pipeline_mode<synchronous>, transform_indices = @transform_2, window_bounds = array<i64: 1, 128>}, {transform_indices = @transform_3, window_bounds = array<i64: 1000, 128>}]} {
    %get3A = arith.constant 0 : index
    %get3A_0 = arith.constant 0 : index
    %get3A_1 = arith.constant 0 : index
    %get3A_2 = vector.load %arg1[%get3A, %get3A_0, %get3A_1] : memref<2x1000x128xf32, #tpu.memory_space<vmem>>, vector<2x1000x128xf32>
    %slice3A = vector.extract_strided_slice %get3A_2 {offsets = [0, 0, 0], sizes = [1, 1000, 128], strides = [1, 1, 1]} : vector<2x1000x128xf32> to vector<1x1000x128xf32>
    %squeeze3A = vector.shape_cast %slice3A : vector<1x1000x128xf32> to vector<1000x128xf32>
    %slice3A_3 = vector.extract_strided_slice %get3A_2 {offsets = [1, 0, 0], sizes = [1, 1000, 128], strides = [1, 1, 1]} : vector<2x1000x128xf32> to vector<1x1000x128xf32>
    %squeeze3A_4 = vector.shape_cast %slice3A_3 : vector<1x1000x128xf32> to vector<1000x128xf32>
    %add3A = arith.addf %squeeze3A, %squeeze3A_4 : vector<1000x128xf32>
    %get3A_5 = arith.constant 0 : index
    %get3A_6 = arith.constant 0 : index
    %get3A_7 = vector.load %arg2[%get3A_5, %get3A_6] : memref<128x128xf32, #tpu.memory_space<vmem>>, vector<128x128xf32>
    %dot_general3A = arith.constant dense<0.000000e+00> : vector<1000x128xf32>
    %dot_general3A_8 = tpu.matmul %add3A, %get3A_7, %dot_general3A {dimension_numbers = #tpu.dot_dimension_numbers<[1], [0], [0], [1], [0, 0, 1, 1], [], []>, transpose_lhs_hint = false} : vector<1000x128xf32>, vector<128x128xf32>, vector<1000x128xf32> -> vector<1000x128xf32>
    %get3A_9 = arith.constant 0 : index
    %get3A_10 = arith.constant 0 : index
    %get3A_11 = vector.load %arg3[%get3A_9, %get3A_10] : memref<1x128xf32, #tpu.memory_space<vmem>>, vector<1x128xf32>
    %add3A_12 = vector.broadcast %get3A_11 : vector<1x128xf32> to vector<1000x128xf32>
    %add3A_13 = arith.addf %dot_general3A_8, %add3A_12 : vector<1000x128xf32>
    %swap3A = arith.constant 0 : index
    %swap3A_14 = arith.constant 0 : index
    %swap3A_15 = vector.load %arg4[%swap3A, %swap3A_14] : memref<1000x128xf32, #tpu.memory_space<vmem>>, vector<1000x128xf32>
    tpu.vector_store %arg4[%swap3A, %swap3A_14], %add3A_13 {strides = array<i32>} : memref<1000x128xf32, #tpu.memory_space<vmem>>, vector<1000x128xf32>,
    return
  }
  func.func @transform_0(%arg0: i32) -> (i32, i32, i32) {
    %c0_i32 = arith.constant 0 : i32
    %c0_i32_0 = arith.constant 0 : i32
    %c0_i32_1 = arith.constant 0 : i32
    return %c0_i32, %arg0, %c0_i32_0 : i32, i32, i32
  }
  func.func @transform_1(%arg0: i32) -> (i32, i32) {
    %c0_i32 = arith.constant 0 : i32
    %c0_i32_0 = arith.constant 0 : i32
    %c0_i32_1 = arith.constant 0 : i32
    return %c0_i32, %c0_i32_0 : i32, i32
  }
  func.func @transform_2(%arg0: i32) -> (i32, i32) {
    %c0_i32 = arith.constant 0 : i32
    %c0_i32_0 = arith.constant 0 : i32
    %c0_i32_1 = arith.constant 0 : i32
    return %c0_i32, %c0_i32_0 : i32, i32
  }
  func.func @transform_3(%arg0: i32) -> (i32, i32) {
    %c0_i32 = arith.constant 0 : i32
    %c0_i32_0 = arith.constant 0 : i32
    return %arg0, %c0_i32 : i32, i32
  }
}

</mosaic_0001>

<sc_bundles>
// kernel: kernel.4.cloned.1.call-start
scs
__scs_entry_jumppad:
0x0: {  	(pc) =	sbr.rel $0x88, $3  }
0x1: {  	(tag) =	ssettag $0x0;
	lr =	simm.s32 $0x1  }
0x2: {  	[smem:$0x3F9C] =	sst lr;
	_ =	strace $0xD0000000  }
0x3: {  	_ = 	snop  }
0x4: {  	_ = 	snop  }
0x5: {  	_ = 	snop  }
0x6: {  	_ = 	snop  }
0x7: {  	_ = 	snop  }
__scs_overlays_trampoline_lowered:
0x8: {  	[smem:$0x3FAB] =	sst s0  }
0x9: {  	[smem:$0x3FAC] =	sst s1  }
0xa: {  	[smem:$0x3FAD] =	sst s2  }
0xb: {  	[smem:$0x3FAE] =	sst s3  }
0xc: {  	[smem:$0x3FAF] =	sst s4  }
0xd: {  	[smem:$0x3FB0] =	sst s5  }
0xe: {  	[smem:$0x3FB1] =	sst s6  }
0xf: {  	[smem:$0x3FB2] =	sst s7  }
0x10: {  	[smem:$0x3FB3] =	sst s8  }
0x11: {  	[smem:$0x3FB4] =	sst s9;
	s0 =	simm.s32 @!p0 $0x0  }
0x12: {  	s1 =	sld [smem:$0x3F9A];
	s0 =	simm.s32 @p0 $0x1  }
0x13: {  	[smem:$0x3FB5] =	sst s0;
	s0 =	simm.s32 @!p1 $0x0  }
0x14: {  	s2 =	sld [smem:$0x3F99];
	s0 =	simm.s32 @p1 $0x1  }
0x15: {  	[smem:$0x3FB6] =	sst s0;
	s0 =	simm.s32 @!p2 $0x0  }
0x16: {  	s3 =	sld [smem:$0x3FDB];
	s0 =	simm.s32 @p2 $0x1  }
0x17: {  	s4 =	simm.s32 $0x1BF5;
	[smem:$0x3FB8] =	sst s0  }
0x18: {  	s0 =	sld [smem:$0x3F9B];
	_ =	swait.ge [sflag:s4], $0x0  }
0x19: {  	s7 =	sld [smem:$0x3F9C]  }
0x1a: {  	s8 =	sadd.s32 $0xFFFFE003, lr  }
0x1b: {  	s9 =	sadd.s32 $0xFFFFFEF7, lr;
	s5 =	simm.s32 $0xFFFFFFFF;
	p2 =	slt.u32 s8, $0xFFFFF086  }
0x1c: {  	p1 =	slt.u32 s9, $0xF7A;
	s5 =	simm.s32 @!p2 $0x0  }
0x1d: {  	s5 =	simm.s32 @p1 $0x1;
	p0 =	seq.s32 s7, s2  }
0x1e: {  	s7 =	smul.u32 @!p0 $0xF7A, s2;
	p2 =	seq.s32 @!p0 s5, $0x0  }
0x1f: {  	s9 =	smul.u32 $0xF7A, s1;
	s8 =	simm.s32 @!p0 $0x1BF5;
	p2 =	por !p2, p0  }
0x20: {  	[sflag:s8] =	ssyncset.s32 @!p0 $0xFFFFF086;
	s6 =	sadd.s32 @!p0 s3, s7;
	s7 =	simm.s32 @!p0 $0x108  }
0x21: {  	s3 =	sadd.s32 s3, s9;
	s6 =	sadd.s32 @!p0 $0x88, s6;
	s7 =	simm.s32 @p2 $0x1082  }
0x22: {  	[simem:s7], [sflag:s8] =	dma.local @!p0 [hbm:s6], $0xF7A  }
0x23: {  	s9 =	sor.u32 $0xD0000000, s2;
	s6 =	simm.s32 $0x108;
	_ =	swait.ge @!p0 [sflag:s8], $0x0  }
0x24: {  	s3 =	sadd.s32 $0x88, s3;
	s6 =	simm.s32 @!p1 $0x1082;
	[sflag:s4] =	ssyncset.s32 $0xFFFFF086  }
0x25: {  	[simem:s6], [sflag:s4] =	dma.local [hbm:s3], $0xF7A  }
0x26: {  	[smem:$0x3F9C] =	sst s1;
	(tag) =	ssettag s2;
	_ =	strace s9  }
0x27: {  	s1 =	sld [smem:$0x3FAC]  }
0x28: {  	s2 =	sld [smem:$0x3FAD]  }
0x29: {  	s4 =	sld [smem:$0x3FAF]  }
0x2a: {  	p0 =	seq.s32 s5, $0x0;
	s5 =	sld [smem:$0x3FB0]  }
0x2b: {  	s6 =	sld [smem:$0x3FB1]  }
0x2c: {  	s7 =	sld [smem:$0x3FB2]  }
0x2d: {  	s3 =	simm.s32 $0x108;
	s8 =	sld [smem:$0x3FB3]  }
0x2e: {  	s3 =	simm.s32 @!p0 $0x1082;
	s9 =	sld [smem:$0x3FB4]  }
0x2f: {  	lr =	sadd.s32 s0, s3;
	s0 =	sld [smem:$0x3FAB]  }
0x30: {  	s3 =	sld [smem:$0x3FAE]  }
0x31: {  	[smem:$0x3FB7] =	sst s10  }
0x32: {  	s10 =	sld [smem:$0x3FB5];
	_ =	sdelay $0x3  }
0x33: {  	p0 =	seq.s32 s10, $0x1;
	s10 =	sld [smem:$0x3FB7];
	_ =	sdelay $0x3  }
0x34: {  	[smem:$0x3FB7] =	sst s10  }
0x35: {  	s10 =	sld [smem:$0x3FB6];
	_ =	sdelay $0x3  }
0x36: {  	p1 =	seq.s32 s10, $0x1;
	s10 =	sld [smem:$0x3FB7];
	_ =	sdelay $0x3  }
0x37: {  	[smem:$0x3FB7] =	sst s10  }
0x38: {  	s10 =	sld [smem:$0x3FB8]  }
0x39: {  	_ = 	snop;
	(pc) =	sbr.ind lr, $3  }
0x3a: {  	_ = 	snop  }
0x3b: {  	_ = 	snop  }
0x3c: {  	p2 =	seq.s32 s10, $0x1;
	s10 =	sld [smem:$0x3FB7]  }
0x3d: {  	_ =	shalt  }
0x3e: {  	_ =	shalt  }
0x3f: {  	_ =	shalt  }
0x40: {  	_ =	shalt  }
0x41: {  	_ =	shalt  }
0x42: {  	_ =	shalt  }
0x43: {  	_ =	shalt  }
0x44: {  	_ =	shalt  }
0x45: {  	_ =	shalt  }
0x46: {  	_ =	shalt  }
0x47: {  	_ =	shalt  }
0x48: {  	_ =	shalt  }
0x49: {  	_ =	shalt  }
0x4a: {  	_ =	shalt  }
0x4b: {  	_ =	shalt  }
0x4c: {  	_ =	shalt  }
0x4d: {  	_ =	shalt  }
0x4e: {  	_ =	shalt  }
0x4f: {  	_ =	shalt  }
0x50: {  	_ =	shalt  }
0x51: {  	_ =	shalt  }
0x52: {  	_ =	shalt  }
0x53: {  	_ =	shalt  }
0x54: {  	_ =	shalt  }
0x55: {  	_ =	shalt  }
0x56: {  	_ =	shalt  }
0x57: {  	_ =	shalt  }
0x58: {  	_ =	shalt  }
0x59: {  	_ =	shalt  }
0x5a: {  	_ =	shalt  }
0x5b: {  	_ =	shalt  }
0x5c: {  	_ =	shalt  }
0x5d: {  	_ =	shalt  }
0x5e: {  	_ =	shalt  }
0x5f: {  	_ =	shalt  }
0x60: {  	_ =	shalt  }
0x61: {  	_ =	shalt  }
0x62: {  	_ =	shalt  }
0x63: {  	_ =	shalt  }
0x64: {  	_ =	shalt  }
0x65: {  	_ =	shalt  }
0x66: {  	_ =	shalt  }
0x67: {  	_ =	shalt  }
0x68: {  	_ =	shalt  }
0x69: {  	_ =	shalt  }
0x6a: {  	_ =	shalt  }
0x6b: {  	_ =	shalt  }
0x6c: {  	_ =	shalt  }
0x6d: {  	_ =	shalt  }
0x6e: {  	_ =	shalt  }
0x6f: {  	_ =	shalt  }
0x70: {  	_ =	shalt  }
0x71: {  	_ =	shalt  }
0x72: {  	_ =	shalt  }
0x73: {  	_ =	shalt  }
0x74: {  	_ =	shalt  }
0x75: {  	_ =	shalt  }
0x76: {  	_ =	shalt  }
0x77: {  	_ =	shalt  }
0x78: {  	_ =	shalt  }
0x79: {  	_ =	shalt  }
0x7a: {  	_ =	shalt  }
0x7b: {  	_ =	shalt  }
0x7c: {  	_ =	shalt  }
0x7d: {  	_ =	shalt  }
0x7e: {  	_ =	shalt  }
0x7f: {  	_ =	shalt  }
0x80: {  	_ =	shalt  }
0x81: {  	_ =	shalt  }
0x82: {  	_ =	shalt  }
0x83: {  	_ =	shalt  }
0x84: {  	_ =	shalt  }
0x85: {  	_ =	shalt  }
0x86: {  	_ =	shalt  }
0x87: {  	_ =	shalt  }
.Lfunc_end0:
.L_simem_size_0:
called_computation_lowered:
.L_overlay_start_0:
0x88: {  	s2 =	sld [smem:$0x3FD9]  }
0x89: {  	s3 =	sld [smem:$0x3FFE];
	_ =	sdelay $0x1  }
0x8a: {  	s1 =	srdreg.scid  }
0x8b: {  	s0 =	sand.u32 $0x1, s1  }
0x8c: {  	s17 =	sshll.u32 s0, $0xA;
	s2 =	sadd.s32 s3, s2  }
0x8d: {  	s2 =	sadd.s32 s2, s17  }
0x8e: {  	[smem:$0x3FC3] =	sst s2  }
0x8f: {  	_ = 	snop  }
0x90: {  	s2 =	sld [smem:$0x3FC9]  }
0x91: {  	s18 =	sld [smem:$0x3FD0];
	(tm) =	ssettm $0x1  }
0x92: {  	s4 =	sld [smem:$0x3FFB];
	_ =	sdelay $0x3  }
0x93: {  	_ =	strace s4  }
0x94: {  	s4 =	sld [smem:$0x3FFC];
	_ =	sdelay $0x3  }
0x95: {  	_ =	strace s4  }
0x96: {  	s4 =	sld [smem:$0x3FFD];
	_ =	sdelay $0x3  }
0x97: {  	_ =	strace s4  }
0x98: {  	_ =	strace $0x8FFFFFFF  }
0x99: {  	s19 =	sld [smem:$0x3FDB];
	_ =	sdelay $0x1  }
0x9a: {  	s5 =	simm.s32 $_scs_section_size  }
0x9b: {  	s6 =	simm.s32 $_size__tile_overlayer_lowered;
	s7 =	simm.s32 $_tile_overlayer_lowered  }
0x9c: {  	s22 =	simm.s32 $0x1BFF;
	s21 =	sshll.u32 s7, $0x1;
	s4 =	sadd.s32 s5, s19  }
0x9d: {  	s8 =	simm.s32 $0x0;
	s20 =	sshll.u32 s6, $0x1;
	s6 =	sadd.s32 s21, s4  }
0x9e: {  	[timem:s8], [sflag:s22] =	dma.local [hbm:s6], s20  }
0x9f: {  	_ =	swait.ge [sflag:s22], s20  }
0xa0: {  	s5 =	ssub.s32 $0x0, s20;
	[sflag:s22] =	ssyncset.done $0x0  }
0xa1: {  	[sflag:s22] =	ssyncadd.s32 s5;
	_ =	sdelay $0x1  }
0xa2: {  	s23 =	simm.s32 $0x1B8B  }
0xa3: {  	_ =	swait.ge [sflag:s23], $0x1  }
0xa4: {  	[sflag:s23] =	ssyncset.done $0x0  }
0xa5: {  	s25 =	simm.s32 $0x1B8E;
	s24 =	sld [smem:$0x3FFE];
	[sflag:s23] =	ssyncadd.s32 $0xFFFFFFFF  }
0xa6: {  	s26 =	simm.s32 $execute0_lowered;
	[smem:$0x3FD2] =	sst s25  }
0xa7: {  	s6 =	sshll.u32 s26, $0x1;
	_ =	strace $0x80000046;
	[dreg:$0x1] =	wrdreg $0xFFFFFFFF  }
0xa8: {  	s28 =	simm.s32 $_size_execute0_lowered;
	s4 =	sadd.s32 s4, s6;
	[dreg:$0x0] =	wrdreg $0x0  }
0xa9: {  	s6 =	sshll.u32 s28, $0x1;
	[dreg:$0x2] =	wrdreg s4  }
0xaa: {  	[dreg:$0x3] =	wrdreg s6  }
0xab: {  	[dreg:$0x4] =	wrdreg $0xC0  }
0xac: {  	_ =	task [dreg:s8], $0x5FFFF  }
0xad: {  	[dreg:$0x1] =	wrdreg $0xFFFFFFFF  }
0xae: {  	[dreg:$0x0] =	wrdreg $0x60  }
0xaf: {  	[dreg:$0x2] =	wrdreg s2  }
0xb0: {  	[dreg:$0x3] =	wrdreg s18  }
0xb1: {  	[dreg:$0x4] =	wrdreg s24  }
0xb2: {  	[dreg:$0x5] =	wrdreg $0x0  }
0xb3: {  	[dreg:$0x6] =	wrdreg $0x9  }
0xb4: {  	_ =	task.clear_ibuf [dreg:s8], $0x7FFFF;
	_ =	strace $0x90000046  }
0xb5: {  	s29 =	simm.s32 $0x9;
	_ =	strace $0x80000048  }
0xb6: {  	_ =	swait.ge [sflag:s29], $0x1  }
0xb7: {  	[sflag:s29] =	ssyncadd.s32 $0xFFFFFFFF  }
0xb8: {  	_ =	strace $0x90000048  }
0xb9: {  	_ =	sfence  }
0xba: {  	s30 =	sld [smem:$0x0];
	_ =	sdelay $0x2  }
0xbb: {  	s31 =	sshll.u32 s1, $0xD;
	s1 =	sshrl.u32 s1, $0x2  }
0xbc: {  	s3 =	sand.u32 $0x4000, s31;
	s1 =	sadd.s32 s1, s30  }
0xbd: {  	s0 =	sor.u32 s3, s0;
	s1 =	sshll.u32 s1, $0x11  }
0xbe: {  	s0 =	sor.u32 s1, s0  }
0xbf: {  	s0 =	sadd.s32 $0x8F2B, s0  }
0xc0: {  	[sflag:s0] =	ssyncadd.remote.s32 $0x1  }
0xc1: {  	_ =	sfence.sel $0xFFFF  }
0xc2: {  	[dreg:$0x0] =	wrdreg $0xFFFFFFFF;
	(pc) =	sbr.abs _section_cstart, $3  }
0xc3: {  	[dreg:$0x1] =	wrdreg $0xFFFFFFFF  }
0xc4: {  	_ =	task.clear_ibuf [dreg:s8], $0x2FFFF;
	_ =	strace $0x9FFFFFFF  }
0xc5: {  	(tm) =	ssettm $0x7FFFFFFF  }
tec
execute0_lowered:
.L_overlay_start_1:
0x0: {  	(tag) =	ssettag $0x1  }
0x1: {  	s0 =	rddreg [dreg:$0x0]  }
0x2: {  	s2 =	rddreg [dreg:$0x1]  }
0x3: {  	s1 =	srdreg.scid;
	s3 =	rddreg [dreg:$0x2]  }
0x4: {  	s11 =	stileid.u32;
	s4 =	rddreg [dreg:$0x3];
	s5 =	simm.s32 $0x0  }
0x5: {  	s29 =	simm.s32 $0x17E00;
	s1 =	sand.u32 $0x1, s1;
	s7 =	smul.u32 $0x13C00, s11  }
0x6: {  	[smem:$0x7FF] =	sst s5;
	s9 =	smul.u32 $0x4F000, s11;
	s24 =	sshll.u32 s11, $0x1  }
0x7: {  	s6 =	smul.u32 $0x13C000, s1;
	s10 =	ssub.s32 $0x2, s1;
	s1 =	sor.u32 s1, s24  }
0x8: {  	_ =	strace $0x80000047;
	s9 =	sshrl.u32 s9, $0x2;
	s31 =	smul.u32 $0x2780, s1  }
0x9: {  	s25 =	sshrl.u32 s10, $0x1;
	s1 =	smul.u32 $0x27800, s1;
	s6 =	sadd.s32 s7, s6  }
0xa: {  	s7 =	sadd.s32 $0x200, s3;
	s26 =	ssub.s32 s10, s25;
	s8 =	sshrl.u32 s6, $0x3  }
0xb: {  	s6 =	sadd.s32 $0xA000, s3;
	s19 =	sshrl.u32 s31, $0x3;
	s26 =	smax.u32 s26, $0x1  }
0xc: {  	s3 =	sadd.s32 s8, s3;
	s1 =	sadd.s32 s6, s1;
	[dreg:$0x13] =	wrdreg s26  }
0xd: {  	s8 =	sadd.s32 s9, s4;
	s23 =	sadd.s32 s7, s19;
	[dreg:$0xd] =	wrdreg s1  }
0xe: {  	s30 =	simm.s32 $0x1;
	s12 =	sadd.s32 $0x2000, s8;
	[dreg:$0x10] =	wrdreg s23  }
0xf: {  	s11 =	simm.s32 $0x4;
	s13 =	sadd.s32 $0x4000, s8;
	[dreg:$0x5] =	wrdreg s12  }
0x10: {  	s10 =	simm.s32 $0x17D00;
	s14 =	sadd.s32 $0x6000, s8;
	[dreg:$0x6] =	wrdreg s13  }
0x11: {  	s9 =	simm.s32 $0x40;
	s15 =	sadd.s32 $0x8000, s8;
	[dreg:$0x7] =	wrdreg s14  }
0x12: {  	s16 =	sadd.s32 $0xA000, s8;
	s17 =	sadd.s32 $0xC000, s8;
	[dreg:$0x8] =	wrdreg s15  }
0x13: {  	s18 =	sadd.s32 $0xE000, s8;
	s23 =	sadd.s32 $0xC0, s31;
	[dreg:$0x9] =	wrdreg s16  }
0x14: {  	s25 =	sadd.s32 $0x4FA000, s3;
	s28 =	sadd.s32 $0x12000, s8;
	[dreg:$0xa] =	wrdreg s17  }
0x15: {  	s1 =	simm.s32 $0x13C80;
	s3 =	simm.s32 $0x3;
	[dreg:$0xb] =	wrdreg s18  }
0x16: {  	s12 =	sor.u32 $0x40, s31;
	s13 =	sadd.s32 s2, s19;
	[dreg:$0x12] =	wrdreg s25  }
0x17: {  	s14 =	simm.s32 $0x2;
	s15 =	simm.s32 $0x5;
	s20 =	sshrl.u32 s12, $0x3  }
0x18: {  	[dreg:$0xc] =	wrdreg s13;
	s12 =	sshll.u32 s12, $0x4;
	s21 =	sadd.s32 s2, s20  }
0x19: {  	s16 =	simm.s32 $0x6;
	s22 =	sadd.s32 s6, s12;
	[dreg:$0xe] =	wrdreg s21  }
0x1a: {  	s17 =	simm.s32 $0x7;
	s24 =	sadd.s32 s7, s20;
	[dreg:$0xf] =	wrdreg s22  }
0x1b: {  	[dreg:$0x11] =	wrdreg s24;
	s22 =	sadd.s32 $0x80, s31;
	s31 =	sadd.s32 $0x10000, s8  }
0x1c: {  	v0 =	vimm.f32 $0.0e+00;
	s13 =	simm.s32 $0x17D80;
	s12 =	simm.s32 $0x19E00;
	[dreg:$0x14] =	wrdreg s31  }
.LBB2_1:
0x1d: {  	s18 =	simm.s32 $0x0;
	s19 =	simm.s32 $0x200  }
.LBB2_2:
0x1e: {  	p0 =	sne.s32 s19, $0x7E00;
	[tilespmem:s18+$0x17E70] =	vst v0  }
0x1f: {  	[tilespmem:s18+$0x17E00] =	vst v0  }
0x20: {  	[tilespmem:s18+$0x17E10] =	vst v0  }
.Ltmp0:
0x21: {  	[tilespmem:s18+$0x17E20] =	vst v0;
	(pc) =	sbr.rel @p0 .LBB2_2-.Ltmp0, $4  }
0x22: {  	[tilespmem:s18+$0x17E30] =	vst v0  }
0x23: {  	[tilespmem:s18+$0x17E40] =	vst v0  }
0x24: {  	[tilespmem:s18+$0x17E50] =	vst v0  }
0x25: {  	[tilespmem:s18+$0x17E60] =	vst v0;
	s18 =	sshra.s32 s19, $0x2;
	s19 =	sadd.s32 $0x200, s19  }
0x26: {  	[tilespmem:s18+$0x17E70] =	vst v0  }
0x27: {  	[tilespmem:s18+$0x17E00] =	vst v0  }
0x28: {  	[tilespmem:s18+$0x17E10] =	vst v0  }
0x29: {  	[tilespmem:s18+$0x17E20] =	vst v0  }
0x2a: {  	[tilespmem:s18+$0x17E30] =	vst v0  }
0x2b: {  	[tilespmem:s18+$0x17E40] =	vst v0  }
0x2c: {  	[tilespmem:s18+$0x17E50] =	vst v0  }
0x2d: {  	[tilespmem:s18+$0x17E60] =	vst v0  }
0x2e: {  	[spmem:s8] =	stream.linear.scatter [tilespmem:s29], [sflag:$0x1], $0x2000, $0x38;
	[tilespmem:$0x1BE00] =	vst v63  }
0x2f: {  	s26 =	rddreg [dreg:$0x5]  }
0x30: {  	[spmem:s26] =	stream.linear.scatter [tilespmem:s29], [sflag:$0x1], $0x2000, $0x38;
	[tilespmem:$0x1BE00] =	vst v63  }
0x31: {  	s31 =	rddreg [dreg:$0x6]  }
0x32: {  	[spmem:s31] =	stream.linear.scatter [tilespmem:s29], [sflag:$0x1], $0x2000, $0x38;
	[tilespmem:$0x1BE00] =	vst v63  }
0x33: {  	s19 =	rddreg [dreg:$0x7]  }
0x34: {  	[spmem:s19] =	stream.linear.scatter [tilespmem:s29], [sflag:$0x1], $0x2000, $0x38;
	[tilespmem:$0x1BE00] =	vst v63  }
0x35: {  	s20 =	rddreg [dreg:$0x8]  }
0x36: {  	[spmem:s20] =	stream.linear.scatter [tilespmem:s29], [sflag:$0x1], $0x2000, $0x38;
	[tilespmem:$0x1BE00] =	vst v63  }
0x37: {  	s21 =	rddreg [dreg:$0x9]  }
0x38: {  	[spmem:s21] =	stream.linear.scatter [tilespmem:s29], [sflag:$0x1], $0x2000, $0x38;
	[tilespmem:$0x1BE00] =	vst v63  }
0x39: {  	s24 =	rddreg [dreg:$0xa]  }
0x3a: {  	[spmem:s24] =	stream.linear.scatter [tilespmem:s29], [sflag:$0x1], $0x2000, $0x38;
	[tilespmem:$0x1BE00] =	vst v63  }
0x3b: {  	s25 =	rddreg [dreg:$0xb]  }
0x3c: {  	[spmem:s25] =	stream.linear.scatter [tilespmem:s29], [sflag:$0x1], $0x2000, $0x38;
	[tilespmem:$0x1BE00] =	vst v63  }
0x3d: {  	s26 =	rddreg [dreg:$0x14]  }
0x3e: {  	[spmem:s26] =	stream.linear.scatter [tilespmem:s29], [sflag:$0x1], $0x2000, $0x38;
	[tilespmem:$0x1BE00] =	vst v63  }
0x3f: {  	_ = 	snop  }
0x40: {  	[spmem:s28] =	stream.linear.scatter [tilespmem:s29], [sflag:$0x1], $0x1C00, $0x38;
	[tilespmem:$0x1BE00] =	vst v63  }
0x41: {  	_ =	swait.ge [sflag:s30], $0x2000  }
0x42: {  	[sflag:s30] =	ssyncset.done $0x0  }
0x43: {  	[sflag:s30] =	ssyncadd.s32 $0xFFFFE000  }
0x44: {  	_ =	swait.ge [sflag:s30], $0x2000  }
0x45: {  	[sflag:s30] =	ssyncset.done $0x0  }
0x46: {  	[sflag:s30] =	ssyncadd.s32 $0xFFFFE000  }
0x47: {  	_ =	swait.ge [sflag:s30], $0x2000  }
0x48: {  	[sflag:s30] =	ssyncset.done $0x0  }
0x49: {  	[sflag:s30] =	ssyncadd.s32 $0xFFFFE000  }
0x4a: {  	_ =	swait.ge [sflag:s30], $0x2000  }
0x4b: {  	[sflag:s30] =	ssyncset.done $0x0  }
0x4c: {  	[sflag:s30] =	ssyncadd.s32 $0xFFFFE000  }
0x4d: {  	_ =	swait.ge [sflag:s30], $0x2000  }
0x4e: {  	[sflag:s30] =	ssyncset.done $0x0  }
0x4f: {  	[sflag:s30] =	ssyncadd.s32 $0xFFFFE000  }
0x50: {  	_ =	swait.ge [sflag:s30], $0x2000  }
0x51: {  	[sflag:s30] =	ssyncset.done $0x0  }
0x52: {  	[sflag:s30] =	ssyncadd.s32 $0xFFFFE000  }
0x53: {  	_ =	swait.ge [sflag:s30], $0x2000  }
0x54: {  	[sflag:s30] =	ssyncset.done $0x0  }
0x55: {  	[sflag:s30] =	ssyncadd.s32 $0xFFFFE000  }
0x56: {  	_ =	swait.ge [sflag:s30], $0x2000  }
0x57: {  	[sflag:s30] =	ssyncset.done $0x0  }
0x58: {  	[sflag:s30] =	ssyncadd.s32 $0xFFFFE000  }
0x59: {  	_ =	swait.ge [sflag:s30], $0x2000  }
0x5a: {  	[sflag:s30] =	ssyncset.done $0x0  }
0x5b: {  	[sflag:s30] =	ssyncadd.s32 $0xFFFFE000  }
0x5c: {  	_ =	swait.ge [sflag:s30], $0x1C00  }
0x5d: {  	[sflag:s30] =	ssyncset.done $0x0  }
0x5e: {  	[sflag:s30] =	ssyncadd.s32 $0xFFFFE400  }
0x5f: {  	[bflag:$0x0] =	sbarrier.arrive $0xFFFF  }
0x60: {  	s18 =	simm.s32 $0x0;
	s20 =	simm.s32 $0x13C00;
	s19 =	rddreg [dreg:$0xc]  }
0x61: {  	[tilespmem:s20], [sflag:$0x3] =	stream.linear.gather [hbm4b:s19+s18], $0x40, $0x38;
	[tilespmem:$0x1BE00] =	vst v63  }
0x62: {  	s21 =	simm.s32 $0x13D00;
	s31 =	rddreg [dreg:$0xd]  }
0x63: {  	[tilespmem:s21], [sflag:$0x3] =	stream.linear.gather [hbm4b:s31+s18], $0x2000, $0x38;
	[tilespmem:$0x1BE00] =	vst v63  }
0x64: {  	s21 =	rddreg [dreg:$0xe]  }
0x65: {  	[tilespmem:s1], [sflag:$0x4] =	stream.linear.gather [hbm4b:s21+s18], $0x40, $0x38;
	[tilespmem:$0x1BE00] =	vst v63  }
0x66: {  	s25 =	simm.s32 $0x15D00;
	s24 =	rddreg [dreg:$0xf]  }
0x67: {  	[tilespmem:s25], [sflag:$0x4] =	stream.linear.gather [hbm4b:s24+s18], $0x2000, $0x38;
	[tilespmem:$0x1BE00] =	vst v63  }
0x68: {  	_ =	swait.ge [sflag:s3], $0x40  }
0x69: {  	[sflag:s3] =	ssyncset.done $0x0  }
0x6a: {  	[sflag:s3] =	ssyncadd.s32 $0xFFFFFFC0  }
0x6b: {  	_ =	swait.ge [sflag:s3], $0x2000  }
0x6c: {  	[sflag:s3] =	ssyncset.done $0x0  }
0x6d: {  	[sflag:s3] =	ssyncadd.s32 $0xFFFFE000  }
0x6e: {  	[tilespmem:s29], [sflag:$0x1] =	stream.indirect.gather [hbm4b:s0+s9], $0x80, s20, s9, $0xb8;
	[tilespmem:$0x1BE00] =	vst v63  }
0x6f: {  	s26 =	rddreg [dreg:$0x10]  }
0x70: {  	[tilespmem:s10], [sflag:$0x3] =	stream.linear.gather [hbm4b:s26+s18], $0x40, $0x38;
	[tilespmem:$0x1BE00] =	vst v63  }
0x71: {  	_ =	swait.ge [sflag:s11], $0x40  }
0x72: {  	[sflag:s11] =	ssyncset.done $0x0  }
0x73: {  	[sflag:s11] =	ssyncadd.s32 $0xFFFFFFC0  }
0x74: {  	_ =	swait.ge [sflag:s11], $0x2000  }
0x75: {  	[sflag:s11] =	ssyncset.done $0x0  }
0x76: {  	[sflag:s11] =	ssyncadd.s32 $0xFFFFE000  }
0x77: {  	[tilespmem:s12], [sflag:$0x2] =	stream.indirect.gather [hbm4b:s0+s9], $0x80, s1, s9, $0xb8;
	[tilespmem:$0x1BE00] =	vst v63  }
0x78: {  	s31 =	rddreg [dreg:$0x11]  }
0x79: {  	[tilespmem:s13], [sflag:$0x4] =	stream.linear.gather [hbm4b:s31+s18], $0x40, $0x38;
	[tilespmem:$0x1BE00] =	vst v63  }
.LBB2_4:
0x7a: {  	_ =	swait.ge [sflag:s30], $0x2000  }
0x7b: {  	[sflag:s30] =	ssyncset.done $0x0  }
0x7c: {  	[sflag:s30] =	ssyncadd.s32 $0xFFFFE000  }
0x7d: {  	_ =	swait.ge [sflag:s3], $0x40  }
0x7e: {  	[sflag:s3] =	ssyncset.done $0x0  }
0x7f: {  	s19 =	simm.s32 $0x0;
	[sflag:s3] =	ssyncadd.s32 $0xFFFFFFC0  }
0x80: {  	v1 =	vld [tilespmem:s19+$0x13D00]  }
0x81: {  	v5 =	vld [tilespmem:s19+$0x17E00]  }
0x82: {  	v7 =	vld [tilespmem:s19+$0x17E10]  }
0x83: {  	v6 =	vld [tilespmem:s19+$0x17E20]  }
0x84: {  	v4 =	vld [tilespmem:s19+$0x17E30]  }
0x85: {  	v2 =	vld [tilespmem:s19+$0x17E40]  }
0x86: {  	v3 =	vld [tilespmem:s19+$0x17E50];
	v8 =	vmul.f32 v5, v1  }
0x87: {  	s20 =	simm.s32 $0x200;
	v7 =	vmul.f32 v7, v1;
	v5 =	vld [tilespmem:s19+$0x17E60]  }
.LBB2_5:
0x88: {  	s21 =	sshra.s32 s20, $0x2;
	p0 =	sne.s32 s20, $0x7E00;
	[tilespmem:s19+$0x17E00] =	vst v8;
	v6 =	vmul.f32 v6, v1;
	v8 =	vld [tilespmem:s19+$0x17E70]  }
0x89: {  	v9 =	vld [tilespmem:s21+$0x13D00];
	[tilespmem:s19+$0x17E10] =	vst v7;
	v4 =	vmul.f32 v4, v1  }
0x8a: {  	v7 =	vld [tilespmem:s21+$0x17E00];
	[tilespmem:s19+$0x17E20] =	vst v6;
	v2 =	vmul.f32 v2, v1  }
0x8b: {  	v10 =	vld [tilespmem:s21+$0x17E10];
	[tilespmem:s19+$0x17E30] =	vst v4;
	v3 =	vmul.f32 v3, v1  }
.Ltmp1:
0x8c: {  	v6 =	vld [tilespmem:s21+$0x17E20];
	[tilespmem:s19+$0x17E40] =	vst v2;
	v5 =	vmul.f32 v5, v1;
	(pc) =	sbr.rel @p0 .LBB2_5-.Ltmp1, $4  }
0x8d: {  	v4 =	vld [tilespmem:s21+$0x17E30];
	[tilespmem:s19+$0x17E50] =	vst v3;
	v11 =	vmul.f32 v8, v1  }
0x8e: {  	v2 =	vld [tilespmem:s21+$0x17E40];
	[tilespmem:s19+$0x17E60] =	vst v5;
	v1 =	vmov v9  }
0x8f: {  	v8 =	vmul.f32 v7, v1;
	v3 =	vld [tilespmem:s21+$0x17E50];
	[tilespmem:s19+$0x17E70] =	vst v11;
	s19 =	smov.u32 s21  }
0x90: {  	s20 =	sadd.s32 $0x200, s20;
	v7 =	vmul.f32 v10, v1;
	v5 =	vld [tilespmem:s19+$0x17E60]  }
0x91: {  	[tilespmem:s19+$0x17E00] =	vst v8;
	v6 =	vmul.f32 v6, v1;
	v8 =	vld [tilespmem:s19+$0x17E70]  }
0x92: {  	[tilespmem:s19+$0x17E10] =	vst v7;
	v4 =	vmul.f32 v4, v1  }
0x93: {  	[tilespmem:s19+$0x17E20] =	vst v6;
	v2 =	vmul.f32 v2, v1  }
0x94: {  	[tilespmem:s19+$0x17E30] =	vst v4;
	v3 =	vmul.f32 v3, v1  }
0x95: {  	[tilespmem:s19+$0x17E40] =	vst v2;
	v2 =	vmul.f32 v5, v1  }
0x96: {  	p0 =	seq.s32 s18, $0x4E;
	s20 =	sshll.u32 s18, $0x7;
	[tilespmem:s19+$0x17E50] =	vst v3;
	v1 =	vmul.f32 v8, v1  }
0x97: {  	s21 =	sadd.s32 @!p0 s20, s22;
	[tilespmem:s19+$0x17E60] =	vst v2  }
0x98: {  	s31 =	simm.s32 @!p0 $0x0;
	[tilespmem:s19+$0x17E70] =	vst v1;
	s19 =	sshrl.u32 @!p0 s21, $0x3  }
0x99: {  	[spmem:s4] =	stream.indirect.scatter.add.f32 [tilespmem:s29], [sflag:$0x5], $0x80, s10, s9, $0xb8;
	[tilespmem:$0x1BE00] =	vst v63  }
0x9a: {  	s25 =	simm.s32 @!p0 $0x13C00;
	s21 =	sshll.u32 @!p0 s21, $0x4;
	s24 =	sadd.s32 @!p0 s2, s19  }
0x9b: {  	[tilespmem:s25], [sflag:$0x3] =	stream.linear.gather @!p0 [hbm4b:s24+s31], $0x40, $0x38;
	[tilespmem:$0x1BE00] =	vst v63  }
0x9c: {  	s21 =	sadd.s32 @!p0 s6, s21;
	s24 =	simm.s32 @!p0 $0x13D00  }
0x9d: {  	[tilespmem:s24], [sflag:$0x3] =	stream.linear.gather @!p0 [hbm4b:s21+s31], $0x2000, $0x38;
	[tilespmem:$0x1BE00] =	vst v63  }
0x9e: {  	_ =	swait.ge [sflag:s14], $0x2000  }
0x9f: {  	[sflag:s14] =	ssyncset.done $0x0  }
0xa0: {  	[sflag:s14] =	ssyncadd.s32 $0xFFFFE000  }
0xa1: {  	_ =	swait.ge [sflag:s11], $0x40  }
0xa2: {  	[sflag:s11] =	ssyncset.done $0x0  }
0xa3: {  	s21 =	simm.s32 $0x0;
	[sflag:s11] =	ssyncadd.s32 $0xFFFFFFC0  }
0xa4: {  	v1 =	vld [tilespmem:s21+$0x15D00]  }
0xa5: {  	v5 =	vld [tilespmem:s21+$0x19E00]  }
0xa6: {  	v7 =	vld [tilespmem:s21+$0x19E10]  }
0xa7: {  	v6 =	vld [tilespmem:s21+$0x19E20]  }
0xa8: {  	v4 =	vld [tilespmem:s21+$0x19E30]  }
0xa9: {  	v2 =	vld [tilespmem:s21+$0x19E40]  }
0xaa: {  	v3 =	vld [tilespmem:s21+$0x19E50];
	v8 =	vmul.f32 v5, v1  }
0xab: {  	s18 =	sadd.s32 $0x1, s18;
	s24 =	simm.s32 $0x200;
	v7 =	vmul.f32 v7, v1;
	v5 =	vld [tilespmem:s21+$0x19E60]  }
.LBB2_7:
0xac: {  	s25 =	sshra.s32 s24, $0x2;
	p1 =	sne.s32 s24, $0x7E00;
	[tilespmem:s21+$0x19E00] =	vst v8;
	v6 =	vmul.f32 v6, v1;
	v8 =	vld [tilespmem:s21+$0x19E70]  }
0xad: {  	v9 =	vld [tilespmem:s25+$0x15D00];
	[tilespmem:s21+$0x19E10] =	vst v7;
	v4 =	vmul.f32 v4, v1  }
0xae: {  	v7 =	vld [tilespmem:s25+$0x19E00];
	[tilespmem:s21+$0x19E20] =	vst v6;
	v2 =	vmul.f32 v2, v1  }
0xaf: {  	v10 =	vld [tilespmem:s25+$0x19E10];
	[tilespmem:s21+$0x19E30] =	vst v4;
	v3 =	vmul.f32 v3, v1  }
.Ltmp2:
0xb0: {  	v6 =	vld [tilespmem:s25+$0x19E20];
	[tilespmem:s21+$0x19E40] =	vst v2;
	v5 =	vmul.f32 v5, v1;
	(pc) =	sbr.rel @p1 .LBB2_7-.Ltmp2, $4  }
0xb1: {  	v4 =	vld [tilespmem:s25+$0x19E30];
	[tilespmem:s21+$0x19E50] =	vst v3;
	v11 =	vmul.f32 v8, v1  }
0xb2: {  	v2 =	vld [tilespmem:s25+$0x19E40];
	[tilespmem:s21+$0x19E60] =	vst v5;
	v1 =	vmov v9  }
0xb3: {  	v8 =	vmul.f32 v7, v1;
	v3 =	vld [tilespmem:s25+$0x19E50];
	[tilespmem:s21+$0x19E70] =	vst v11;
	s21 =	smov.u32 s25  }
0xb4: {  	s24 =	sadd.s32 $0x200, s24;
	v7 =	vmul.f32 v10, v1;
	v5 =	vld [tilespmem:s21+$0x19E60]  }
0xb5: {  	[tilespmem:s21+$0x19E00] =	vst v8;
	v6 =	vmul.f32 v6, v1;
	v63 =	vld [tilespmem:s21+$0x19E70]  }
0xb6: {  	[tilespmem:s21+$0x19E10] =	vst v7;
	v4 =	vmul.f32 v4, v1  }
0xb7: {  	[tilespmem:s21+$0x19E20] =	vst v6;
	v2 =	vmul.f32 v2, v1  }
0xb8: {  	[tilespmem:s21+$0x19E30] =	vst v4;
	v3 =	vmul.f32 v3, v1  }
0xb9: {  	[tilespmem:s21+$0x19E40] =	vst v2;
	v2 =	vmul.f32 v5, v1  }
0xba: {  	[tilespmem:s21+$0x19E50] =	vst v3;
	v1 =	vmul.f32 v63, v1  }
0xbb: {  	s20 =	sadd.s32 @!p0 s20, s23;
	[tilespmem:s21+$0x19E60] =	vst v2  }
0xbc: {  	s25 =	simm.s32 @!p0 $0x0;
	[tilespmem:s21+$0x19E70] =	vst v1;
	s21 =	sshrl.u32 @!p0 s20, $0x3  }
0xbd: {  	[spmem:s4] =	stream.indirect.scatter.add.f32 [tilespmem:s12], [sflag:$0x6], $0x80, s13, s9, $0xb8;
	[tilespmem:$0x1BE00] =	vst v63  }
0xbe: {  	s31 =	simm.s32 @!p0 $0x13C80;
	s20 =	sshll.u32 @!p0 s20, $0x4;
	s24 =	sadd.s32 @!p0 s2, s21  }
0xbf: {  	[tilespmem:s31], [sflag:$0x4] =	stream.linear.gather @!p0 [hbm4b:s24+s25], $0x40, $0x38;
	[tilespmem:$0x1BE00] =	vst v63  }
0xc0: {  	s20 =	sadd.s32 @!p0 s6, s20;
	s24 =	simm.s32 @!p0 $0x15D00  }
0xc1: {  	[tilespmem:s24], [sflag:$0x4] =	stream.linear.gather @!p0 [hbm4b:s20+s25], $0x2000, $0x38;
	[tilespmem:$0x1BE00] =	vst v63  }
0xc2: {  	s20 =	simm.s32 @!p0 $0x3  }
0xc3: {  	_ =	swait.ge @!p0 [sflag:s20], $0x40  }
0xc4: {  	[sflag:s20] =	ssyncset.done @!p0 $0x0  }
0xc5: {  	[sflag:s20] =	ssyncadd.s32 @!p0 $0xFFFFFFC0  }
0xc6: {  	_ =	swait.ge @!p0 [sflag:s20], $0x2000  }
0xc7: {  	[sflag:s20] =	ssyncset.done @!p0 $0x0  }
0xc8: {  	[sflag:s20] =	ssyncadd.s32 @!p0 $0xFFFFE000;
	s20 =	simm.s32 @!p0 $0x5  }
0xc9: {  	_ =	swait.ge @!p0 [sflag:s20], $0x2000  }
0xca: {  	s26 =	simm.s32 @!p0 $0x17E00;
	[sflag:s20] =	ssyncset.done @!p0 $0x0  }
0xcb: {  	s24 =	simm.s32 @!p0 $0x13C00;
	[sflag:s20] =	ssyncadd.s32 @!p0 $0xFFFFE000;
	s20 =	simm.s32 @!p0 $0x40  }
0xcc: {  	[tilespmem:s26], [sflag:$0x1] =	stream.indirect.gather @!p0 [hbm4b:s0+s20], $0x80, s24, s20, $0xb8;
	[tilespmem:$0x1BE00] =	vst v63  }
0xcd: {  	s19 =	sadd.s32 @!p0 s7, s19;
	s24 =	simm.s32 @!p0 $0x17D00  }
0xce: {  	[tilespmem:s24], [sflag:$0x3] =	stream.linear.gather @!p0 [hbm4b:s19+s25], $0x40, $0x38;
	[tilespmem:$0x1BE00] =	vst v63  }
0xcf: {  	s19 =	simm.s32 @!p0 $0x4  }
0xd0: {  	_ =	swait.ge @!p0 [sflag:s19], $0x40  }
0xd1: {  	[sflag:s19] =	ssyncset.done @!p0 $0x0  }
0xd2: {  	[sflag:s19] =	ssyncadd.s32 @!p0 $0xFFFFFFC0  }
0xd3: {  	_ =	swait.ge @!p0 [sflag:s19], $0x2000  }
0xd4: {  	[sflag:s19] =	ssyncset.done @!p0 $0x0  }
0xd5: {  	[sflag:s19] =	ssyncadd.s32 @!p0 $0xFFFFE000;
	s19 =	simm.s32 @!p0 $0x6  }
0xd6: {  	_ =	swait.ge @!p0 [sflag:s19], $0x2000  }
0xd7: {  	[sflag:s19] =	ssyncset.done @!p0 $0x0  }
0xd8: {  	[sflag:s19] =	ssyncadd.s32 @!p0 $0xFFFFE000;
	s19 =	simm.s32 @!p0 $0x19E00  }
0xd9: {  	[tilespmem:s19], [sflag:$0x2] =	stream.indirect.gather @!p0 [hbm4b:s0+s20], $0x80, s31, s20, $0xb8;
	[tilespmem:$0x1BE00] =	vst v63  }
0xda: {  	p1 =	sne.s32 @!p0 s18, $0x4F;
	s19 =	sadd.s32 @!p0 s7, s21;
	s20 =	simm.s32 @!p0 $0x17D80  }
0xdb: {  	[tilespmem:s20], [sflag:$0x4] =	stream.linear.gather @!p0 [hbm4b:s19+s25], $0x40, $0x38;
	[tilespmem:$0x1BE00] =	vst v63  }
0xdc: {  	p0 =	por p0, !p1  }
.Ltmp3:
0xdd: {  	_ = 	snop;
	(pc) =	sbr.rel @!p0 .LBB2_4-.Ltmp3, $1  }
0xde: {  	_ =	sdelay $0x3  }
0xdf: {  	_ =	swait.ge [sflag:s15], $0x2000  }
0xe0: {  	[sflag:s15] =	ssyncset.done $0x0  }
0xe1: {  	[sflag:s15] =	ssyncadd.s32 $0xFFFFE000  }
0xe2: {  	_ =	swait.ge [sflag:s16], $0x2000  }
0xe3: {  	[sflag:s16] =	ssyncset.done $0x0  }
0xe4: {  	s18 =	stileid.u32;
	[sflag:s16] =	ssyncadd.s32 $0xFFFFE000  }
0xe5: {  	s18 =	sshll.u32 s18, $0x6;
	[bflag:$0x0] =	sbarrier.arrive $0xFFFF  }
0xe6: {  	s19 =	sshrl.u32 s8, $0x3;
	s18 =	sor.u32 $0x1C07, s18;
	s20 =	rddreg [dreg:$0x12]  }
0xe7: {  	[hbm:s20], [sflag:s18] =	dma.local [spmem:s19], $0x2780  }
0xe8: {  	_ =	swait.ge [sflag:s17], $0x2780  }
0xe9: {  	s5 =	sadd.s32 $0x1, s5;
	s31 =	rddreg [dreg:$0x13]  }
0xea: {  	p0 =	sne.s32 s5, s31  }
.Ltmp4:
0xeb: {  	_ = 	snop;
	(pc) =	sbr.rel @p0 .LBB2_1-.Ltmp4, $3  }
0xec: {  	_ =	sdelay $0x1  }
0xed: {  	[sflag:s17] =	ssyncset.done $0x0  }
0xee: {  	[sflag:s17] =	ssyncadd.s32 $0xFFFFD880  }
0xef: {  	_ =	sfence.sel $0x180000  }
0xf0: {  	[bflag:$0x0] =	sbarrier.arrive $0xFFFF  }
0xf1: {  	_ =	strace $0x90000047  }
0xf2: {  	s0 =	stileid.u32;
	[bflag:$0x2] =	sbarrier.arrive $0xFFFF  }
0xf3: {  	p0 =	sne.s32 s0, $0x0;
	s0 =	rddreg [dreg:$0x4]  }
0xf4: {  	s0 =	sadd.s32 @!p0 $0x100000, s0  }
0xf5: {  	[sflag:s0] =	ssyncadd.tile.s32 @!p0 $0x1;
	_ =	shalt  }
.Lfunc_end2:
_tile_overlayer_lowered:
.L_overlay_start_2:
0xf6: {  	(tag) =	ssettag $0x2  }
0xf7: {  	s0 =	rddreg [dreg:$0x0];
	s2 =	stileid.u32  }
0xf8: {  	s1 =	rddreg [dreg:$0x1];
	p0 =	sne.s32 s2, $0x0  }
0xf9: {  	s3 =	rddreg [dreg:$0x2];
	[bflag:$0x3] =	sbarrier.arrive $0xFFFF;
	s2 =	simm.s32 @!p0 $0x1C07  }
0xfa: {  	[timem:s3], [sflag:s2] =	dma.local @!p0 [hbm:s0], s1  }
0xfb: {  	s0 =	simm.s32 @!p0 $0x7  }
0xfc: {  	_ =	swait.ge @!p0 [sflag:s0], s1  }
0xfd: {  	s1 =	ssub.s32 @!p0 $0x0, s1;
	[sflag:s0] =	ssyncset.done @!p0 $0x0  }
0xfe: {  	[sflag:s0] =	ssyncadd.s32 @!p0 s1  }
0xff: {  	[bflag:$0x3] =	sbarrier.arrive $0xFFFF  }
0x100: {  	_ =	shalt  }

</sc_bundles>
